<compile_context>
chip_gen: v7x
topology: tpu7x:2x2x1
jax: 0.10.2.dev20260603
libtpu: 0.0.44.dev20260713+nightly
codegen_flags: <defaults>
</compile_context>

<pallas_src>
import functools

import jax
import jax.numpy as jnp
from jax import lax
from jax.experimental import pallas as pl
from jax.experimental.pallas import tpu as pltpu
from jax.experimental.pallas import tpu_sc as plsc

_B = 128
_N = 4096
_NC, _NS, _L = 2, 16, 16
_NW = _NC * _NS
_RPW = _B // _NW
_NCH = _N // _L
_NBINS = 4096
_CAND = _N + 2 * _L
_IMIN = -(2 ** 31)
_IMAX = 2 ** 31 - 1

_mesh = plsc.VectorSubcoreMesh(core_axis_name="c", subcore_axis_name="s",
                               num_cores=_NC, num_subcores=_NS)


@functools.partial(
    pl.kernel,
    out_type=jax.ShapeDtypeStruct((_B * 2,), jnp.int32),
    mesh=_mesh,
    compiler_params=pltpu.CompilerParams(needs_layout_passes=False),
    scratch_types=[
        pltpu.VMEM((_N,), jnp.int32),
        pltpu.VMEM((_NBINS,), jnp.int32),
        pltpu.VMEM((_CAND,), jnp.int32),
        pltpu.VMEM((_CAND,), jnp.int32),
        pltpu.VMEM((_RPW, _N), jnp.float32),
        pltpu.VMEM((_RPW, _N), jnp.int32),
        pltpu.VMEM((_B,), jnp.int32),
        pltpu.VMEM((_L,), jnp.int32),
        pltpu.SemaphoreType.DMA,
        pltpu.SemaphoreType.DMA,
    ],
)
def _sc_select(gumbel_hbm, absorbed_hbm, k_hbm, out_hbm,
               keyb, hist, candk, candi, grows, arows, kvec, outv,
               sem_g, sem_a):
    wid = lax.axis_index("s") * _NC + lax.axis_index("c")
    row0 = wid * _RPW
    cp_g = pltpu.async_copy(gumbel_hbm.at[pl.ds(row0, _RPW)], grows, sem_g)
    cp_a = pltpu.async_copy(absorbed_hbm.at[pl.ds(row0, _RPW)], arows, sem_a)
    pltpu.sync_copy(k_hbm, kvec)
    lanes = lax.iota(jnp.int32, _L)
    ones = jnp.ones((_L,), jnp.int32)

    def zbody(c, _):
        hist[pl.ds(c * _L, _L)] = jnp.zeros((_L,), jnp.int32)
        return 0
    lax.fori_loop(0, _NBINS // _L, zbody, 0)
    cp_g.wait()
    cp_a.wait()

    def row_body(j, ov):
        row = row0 + j

        kch = kvec[pl.ds((row // _L) * _L, _L)]
        k_in = jnp.sum(jnp.where(lanes == row % _L, kch, 0))

        def s1body(cc, carry):
            nabs_v, vmax_v = carry
            for u in range(8):
                c = cc * 8 + u
                g = grows[j, pl.ds(c * _L, _L)]
                ab = arows[j, pl.ds(c * _L, _L)] != 0
                gi = plsc.bitcast(g, jnp.int32)
                s = gi >> 31
                ordk = (gi ^ (s & jnp.int32(0x7FFFFFFF))) + (s & 1)
                key = jnp.where(ab, ordk, jnp.int32(_IMIN))
                keyb[pl.ds(c * _L, _L)] = key
                plsc.addupdate_scatter(hist, [(key >> 20) + 2048], ones)
                nabs_v = nabs_v + plsc.all_reduce_population_count(ab)
                vmax_v = jnp.maximum(vmax_v, key)
            return (nabs_v, vmax_v)
        nabs_v, vmax_v = lax.fori_loop(
            0, _NCH // 8, s1body,
            (jnp.zeros((_L,), jnp.int32), jnp.full((_L,), _IMIN, jnp.int32)))
        nabs = jnp.max(nabs_v)
        kmax = jnp.max(vmax_v)
        k = jnp.minimum(nabs, k_in)

        c0 = ((kmax >> 20) + 2048) // _L

        def s2cond(st):
            c, cum = st
            return (cum < k) & (c >= 0)

        def s2body(st):
            c, cum = st
            return (c - 1, cum + jnp.sum(hist[pl.ds(c * _L, _L)]))

        c_end, cum_end = lax.while_loop(s2cond, s2body, (c0, jnp.int32(0)))
        c_hit = jnp.minimum(c_end + 1, _NBINS // _L - 1)
        h_hit = hist[pl.ds(c_hit * _L, _L)]
        cum_before = cum_end - jnp.sum(h_hit)
        rev = lax.rev(h_hit, (0,))
        hit = (plsc.cumsum(rev) + cum_before) >= k
        lane0_v = plsc.all_reduce_ffs(hit)
        b_star_v = jnp.maximum(c_hit * _L + (_L - 1) - lane0_v, 0)
        bins_hit = c_hit * _L + lanes
        above = cum_before + jnp.sum(jnp.where(bins_hit > b_star_v, h_hit, 0))
        hb_v = plsc.load_gather(hist, [b_star_v])
        need = k - above
        need_v = need
        base_v = (b_star_v - 2048) << 20

        zvec = jnp.zeros((_L,), jnp.int32)
        sep = ((above + jnp.max(hb_v) == k) & (jnp.max(b_star_v) > 0)) \
            | (k == 0)

        def fast_path():
            return base_v - 1, jnp.full((_L,), -1, jnp.int32)

        def slow_path():
            def s3body(cc, off_v):
                for u in range(4):
                    c = cc * 4 + u
                    key = keyb[pl.ds(c * _L, _L)]
                    m = ((key >> 20) + 2048) == b_star_v
                    pos = off_v + plsc.cumsum(m.astype(jnp.int32)) - 1
                    plsc.store_scatter(candk, [pos], key, mask=m)
                    plsc.store_scatter(candi, [pos], lanes + c * _L, mask=m)
                    off_v = off_v + plsc.all_reduce_population_count(m)
                return off_v
            off_v = lax.fori_loop(0, _NCH // 4, s3body, zvec)
            plsc.store_scatter(candk, [off_v + lanes],
                               jnp.full((_L,), _IMIN, jnp.int32))
            ncand = jnp.max(off_v)
            nch4 = (ncand + _L - 1) // _L

            def descend(count_v):
                def vdesc(i, prefix_v):
                    bit = jnp.int32(1) << (19 - i)
                    x_v = base_v | prefix_v | bit
                    cnt_v = count_v(lambda kk, ii: kk >= x_v)
                    return jnp.where(cnt_v >= need_v, prefix_v | bit,
                                     prefix_v)
                prefix_v = lax.fori_loop(0, 20, vdesc, zvec)
                t_v = base_v | prefix_v

                cnt_gt_v = count_v(lambda kk, ii: kk >= t_v + 1)
                ties_v = need_v - cnt_gt_v

                def idesc(i, cut_v):
                    bit = jnp.int32(1) << (11 - i)
                    ci_v = cut_v + bit - 1
                    ce_v = count_v(lambda kk, ii: (kk == t_v) & (ii <= ci_v))
                    return jnp.where(ce_v >= ties_v, cut_v, cut_v + bit)
                cut_v = lax.fori_loop(0, 12, idesc, zvec)
                return t_v, cut_v

            def desc_reg():
                kk = candk[pl.ds(0, _L)]
                ii = candi[pl.ds(0, _L)]
                return descend(
                    lambda pred: plsc.all_reduce_population_count(pred(kk, ii)))

            def desc_mem():
                def count_v(pred):
                    def cbody(c, acc):
                        kk = candk[pl.ds(c * _L, _L)]
                        ii = candi[pl.ds(c * _L, _L)]
                        return acc + plsc.all_reduce_population_count(
                            pred(kk, ii))
                    return lax.fori_loop(0, nch4, cbody, zvec)
                return descend(count_v)

            return lax.cond(ncand <= _L, desc_reg, desc_mem)

        t_v, cut_v = lax.cond(sep, fast_path, slow_path)

        def zrow(cc, _):
            for u in range(8):
                hist[pl.ds((cc * 8 + u) * _L, _L)] = zvec
            return 0
        lax.fori_loop(0, _NBINS // _L // 8, zrow, 0)

        tf_v = jnp.where(k > 0, t_v, jnp.int32(_IMAX))
        cf_v = jnp.where(k > 0, cut_v, jnp.int32(-1))
        ov = jnp.where(lanes == 2 * j, tf_v, ov)
        ov = jnp.where(lanes == 2 * j + 1, cf_v, ov)
        return ov

    ov = lax.fori_loop(0, _RPW, row_body, jnp.zeros((_L,), jnp.int32))
    outv[...] = ov
    pltpu.sync_copy(outv.at[pl.ds(0, 8)], out_hbm.at[pl.ds(wid * 8, 8)])


_ROWS = 16
_GRID = _B // _ROWS


def _tc_body(scores_ref, gumbel_ref, absorbed_ref, t_ref, c_ref, out_ref):
    scores = scores_ref[...]
    g = gumbel_ref[...]
    ab = absorbed_ref[...] != 0
    t = t_ref[...]
    cut = c_ref[...]

    gi = lax.bitcast_convert_type(g, jnp.int32)
    s = gi >> 31
    ordk = (gi ^ (s & jnp.int32(0x7FFFFFFF))) + (s & 1)
    key = jnp.where(ab, ordk, jnp.int32(_IMIN))
    idx = lax.broadcasted_iota(jnp.int32, (_ROWS, _N), 1)
    sel = (key > t) | ((key == t) & (idx <= cut))

    m = jnp.max(scores, axis=1, keepdims=True)
    e = jnp.exp(scores - m)
    s = jnp.sum(e, axis=1, keepdims=True)
    out_ref[...] = jnp.where(sel, e / s, 0.0)


def kernel(scores, gumbel_noise, absorbed_mask, k_per_row):
    kk = k_per_row.astype(jnp.int32)
    sel = _sc_select(gumbel_noise, absorbed_mask, kk).reshape(_B, 2)
    t2 = sel[:, 0:1]
    c2 = sel[:, 1:2]
    return pl.pallas_call(
        _tc_body,
        grid=(_GRID,),
        in_specs=[
            pl.BlockSpec((_ROWS, _N), lambda i: (i, 0)),
            pl.BlockSpec((_ROWS, _N), lambda i: (i, 0)),
            pl.BlockSpec((_ROWS, _N), lambda i: (i, 0)),
            pl.BlockSpec((_ROWS, 1), lambda i: (i, 0)),
            pl.BlockSpec((_ROWS, 1), lambda i: (i, 0)),
        ],
        out_specs=pl.BlockSpec((_ROWS, _N), lambda i: (i, 0)),
        out_shape=jax.ShapeDtypeStruct((_B, _N), jnp.float32),
    )(scores, gumbel_noise, absorbed_mask, t2, c2)

# --- scband reference (transcript-rebuilt; emitter-appended) ---
"""Pipeline reference for scband-ardg-2946347565852 (READ-ONLY COPY).

The authoritative reference and input builder live on the scoring server;
editing this copy changes nothing except your own understanding.
"""

import jax, jax.numpy as jnp
import numpy as np

B = 128
N = 4096
K_MAX = 64

def setup_inputs(seed: int = 0) -> dict:
    key = jax.random.key(seed)
    k1, k2, k3, k4 = jax.random.split(key, 4)
    scores = jax.random.normal(k1, (B, N), dtype=jnp.float32)
    gumbel_noise = jax.random.normal(k2, (B, N), dtype=jnp.float32)
    absorbed_mask = jax.random.randint(k3, (B, N), 0, 2, dtype=jnp.int32)
    k_per_row = jax.random.randint(k4, (B,), 0, K_MAX, dtype=jnp.int64)
    return {
        'scores': scores,
        'gumbel_noise': gumbel_noise,
        'absorbed_mask': absorbed_mask,
        'k_per_row': k_per_row,
    }

def batch_topk_mask(k, n):
    # general_utils.batch_topk_mask: row b has first k[b] entries True
    return jnp.arange(n)[None, :] < k[:, None]

def reference(scores, gumbel_noise, absorbed_mask, k_per_row):
    # Core of ARDG._unmask_edges / _unmask_nodes topk-masking step:
    #   logits = gumbel.sample(shape) - (~absorbed) * 1e9
    #   _, sorted_indices = logits.sort(descending=True)
    #   topk = batch_topk_mask(num_to_unmask, N)
    #   to_unmask = topk.gather(-1, sorted_indices.argsort())
    # followed by guided probability computation probs * mask.
    absorbed = absorbed_mask.astype(jnp.bool_)
    num_absorbed = jnp.sum(absorbed.astype(jnp.int64), axis=-1)
    num_to_unmask = jnp.minimum(num_absorbed, k_per_row)

    noisy = gumbel_noise - (~absorbed).astype(jnp.float32) * 1e9
    # descending sort indices
    sorted_indices = jnp.argsort(-noisy, axis=-1)
    # rank of each position in the descending order == sorted_indices.argsort()
    ranks = jnp.argsort(sorted_indices, axis=-1)
    topk = batch_topk_mask(num_to_unmask, N)
    to_unmask = jnp.take_along_axis(topk, ranks, axis=-1)

    # guided probabilities: softmax over model logits, zeroed outside the
    # selected (unmasked) positions, as in probs_e * w_t with mask gating
    probs = jax.nn.softmax(scores, axis=-1)
    guided_probs = jnp.where(to_unmask, probs, 0.0)
    return guided_probs

if False:  # reference __main__ guard neutralized (emitter)
    out = reference(**setup_inputs())
    print(out.shape, out.dtype)

if __name__ == "__main__":
    import jax
    _d = setup_inputs()
    print(jax.jit(kernel)(*tuple(_d.values())))

</pallas_src>

<mosaic_0001>
#map = affine_map<(d0, d1) -> (0, 0)>
#map1 = affine_map<(d0, d1) -> (0)>
module attributes {stable_mosaic.version = 14 : i64} {
  func.func @_sc_select(%arg0: i32, %arg1: i32, %arg2: memref<128x4096xf32, #tpu.memory_space<hbm>>, %arg3: memref<128x4096xi32, #tpu.memory_space<hbm>>, %arg4: memref<128xi32, #tpu.memory_space<hbm>>, %arg5: memref<256xi32, #tpu.memory_space<hbm>>, %arg6: memref<4096xi32, #tpu.memory_space<vmem>>, %arg7: memref<4096xi32, #tpu.memory_space<vmem>>, %arg8: memref<4128xi32, #tpu.memory_space<vmem>>, %arg9: memref<4128xi32, #tpu.memory_space<vmem>>, %arg10: memref<4x4096xf32, #tpu.memory_space<vmem>>, %arg11: memref<4x4096xi32, #tpu.memory_space<vmem>>, %arg12: memref<128xi32, #tpu.memory_space<vmem>>, %arg13: memref<16xi32, #tpu.memory_space<vmem>>, %arg14: memref<!tpu.dma_semaphore, #tpu.memory_space<semaphore_mem>>, %arg15: memref<!tpu.dma_semaphore, #tpu.memory_space<semaphore_mem>>) attributes {dimension_semantics = [#tpu.dimension_semantics<core_parallel>, #tpu.dimension_semantics<subcore_parallel>], iteration_bounds = array<i64: 2, 16>, scalar_prefetch = 0 : i64, scratch_operands = 10 : i64, tpu.core_type = #tpu.core_type<sc_vector_subcore>, window_params = [{transform_indices = #map}, {transform_indices = #map}, {transform_indices = #map1}, {transform_indices = #map1}]} {
    %mul3A = arith.constant 2 : i32
    %mul3A_0 = arith.muli %arg1, %mul3A : i32
    %add3A = arith.addi %mul3A_0, %arg0 : i32
    %mul3A_1 = arith.constant 4 : i32
    %mul3A_2 = arith.muli %add3A, %mul3A_1 : i32
    %dma_start3A = arith.constant 0 : i32
    %dma_start3A_3 = tpu.memref_slice %arg2[%mul3A_2, %dma_start3A] : memref<128x4096xf32, #tpu.memory_space<hbm>> -> memref<4x4096xf32, #tpu.memory_space<hbm>>
    %dma_start3A_4 = arith.constant 0 : i32
    %dma_start3A_5 = tpu.memref_slice %arg2[%mul3A_2, %dma_start3A_4] : memref<128x4096xf32, #tpu.memory_space<hbm>> -> memref<4x4096xf32, #tpu.memory_space<hbm>>
    tpu.enqueue_dma source(%dma_start3A_5 : memref<4x4096xf32, #tpu.memory_space<hbm>>) target(%arg10 : memref<4x4096xf32, #tpu.memory_space<vmem>>) target_semaphore(%arg14 : memref<!tpu.dma_semaphore, #tpu.memory_space<semaphore_mem>>)
    %dma_start3A_6 = arith.constant 0 : i32
    %dma_start3A_7 = tpu.memref_slice %arg3[%mul3A_2, %dma_start3A_6] : memref<128x4096xi32, #tpu.memory_space<hbm>> -> memref<4x4096xi32, #tpu.memory_space<hbm>>
    %dma_start3A_8 = arith.constant 0 : i32
    %dma_start3A_9 = tpu.memref_slice %arg3[%mul3A_2, %dma_start3A_8] : memref<128x4096xi32, #tpu.memory_space<hbm>> -> memref<4x4096xi32, #tpu.memory_space<hbm>>
    tpu.enqueue_dma source(%dma_start3A_9 : memref<4x4096xi32, #tpu.memory_space<hbm>>) target(%arg11 : memref<4x4096xi32, #tpu.memory_space<vmem>>) target_semaphore(%arg15 : memref<!tpu.dma_semaphore, #tpu.memory_space<semaphore_mem>>)
    "tpu.region"() ({
      %run_scoped3A = tpu.sem_alloc : memref<!tpu.dma_semaphore, #tpu.memory_space<semaphore_mem>>
      tpu.enqueue_dma source(%arg4 : memref<128xi32, #tpu.memory_space<hbm>>) target(%arg12 : memref<128xi32, #tpu.memory_space<vmem>>) target_semaphore(%run_scoped3A : memref<!tpu.dma_semaphore, #tpu.memory_space<semaphore_mem>>)
      tpu.wait_dma2 semaphore(%run_scoped3A : memref<!tpu.dma_semaphore, #tpu.memory_space<semaphore_mem>>) src(%arg4 : memref<128xi32, #tpu.memory_space<hbm>>) dst(%arg12 : memref<128xi32, #tpu.memory_space<vmem>>)
      tpu.yield
    }) : () -> ()
    %iota3A = tpu.iota {dimensions = array<i32: 0>} : vector<16xi32>
    %broadcast_in_dim3A = arith.constant 1 : i32
    %broadcast_in_dim3A_10 = vector.broadcast %broadcast_in_dim3A : i32 to vector<16xi32>
    %scan3A = arith.constant 0 : i32
    %scan3A_11 = arith.constant 0 : i32
    %scan3A_12 = arith.constant 256 : i32
    %scan3A_13 = arith.addi %scan3A_11, %scan3A_12 : i32
    %scan3A_14 = arith.constant 1 : i32
    %scan3A_15 = scf.for %scan3A_35 = %scan3A_11 to %scan3A_13 step %scan3A_14 iter_args(%scan3A_36 = %scan3A) -> (i32)  : i32 {
      %broadcast_in_dim3A_37 = arith.constant 0 : i32
      %broadcast_in_dim3A_38 = vector.broadcast %broadcast_in_dim3A_37 : i32 to vector<16xi32>
      %mul3A_39 = arith.constant 16 : i32
      %mul3A_40 = arith.muli %scan3A_35, %mul3A_39 : i32
      %swap3A_41 = arith.index_cast %mul3A_40 : i32 to index
      %swap3A_42 = tpu.vector_load %arg7[%swap3A_41] {strides = array<i32>} : memref<4096xi32, #tpu.memory_space<vmem>>, vector<16xi32>,
      tpu.vector_store %arg7[%swap3A_41], %broadcast_in_dim3A_38 {strides = array<i32>} : memref<4096xi32, #tpu.memory_space<vmem>>, vector<16xi32>,
      %scan3A_43 = arith.constant 0 : i32
      scf.yield %scan3A_43 : i32
    }
    %scan3A_16 = arith.constant 256 : i32
    %dma_wait3A = arith.constant 0 : i32
    %dma_wait3A_17 = tpu.memref_slice %arg2[%mul3A_2, %dma_wait3A] : memref<128x4096xf32, #tpu.memory_space<hbm>> -> memref<4x4096xf32, #tpu.memory_space<hbm>>
    %dma_wait3A_18 = arith.constant 0 : i32
    %dma_wait3A_19 = tpu.memref_slice %arg2[%mul3A_2, %dma_wait3A_18] : memref<128x4096xf32, #tpu.memory_space<hbm>> -> memref<4x4096xf32, #tpu.memory_space<hbm>>
    tpu.wait_dma2 semaphore(%arg14 : memref<!tpu.dma_semaphore, #tpu.memory_space<semaphore_mem>>) src(%dma_wait3A_19 : memref<4x4096xf32, #tpu.memory_space<hbm>>) dst(%arg10 : memref<4x4096xf32, #tpu.memory_space<vmem>>)
    %dma_wait3A_20 = arith.constant 0 : i32
    %dma_wait3A_21 = tpu.memref_slice %arg3[%mul3A_2, %dma_wait3A_20] : memref<128x4096xi32, #tpu.memory_space<hbm>> -> memref<4x4096xi32, #tpu.memory_space<hbm>>
    %dma_wait3A_22 = arith.constant 0 : i32
    %dma_wait3A_23 = tpu.memref_slice %arg3[%mul3A_2, %dma_wait3A_22] : memref<128x4096xi32, #tpu.memory_space<hbm>> -> memref<4x4096xi32, #tpu.memory_space<hbm>>
    tpu.wait_dma2 semaphore(%arg15 : memref<!tpu.dma_semaphore, #tpu.memory_space<semaphore_mem>>) src(%dma_wait3A_23 : memref<4x4096xi32, #tpu.memory_space<hbm>>) dst(%arg11 : memref<4x4096xi32, #tpu.memory_space<vmem>>)
    %broadcast_in_dim3A_24 = arith.constant 0 : i32
    %broadcast_in_dim3A_25 = vector.broadcast %broadcast_in_dim3A_24 : i32 to vector<16xi32>
    %scan3A_26 = arith.constant 0 : i32
    %scan3A_27 = arith.constant 4 : i32
    %scan3A_28 = arith.addi %scan3A_26, %scan3A_27 : i32
    %scan3A_29 = arith.constant 1 : i32
    %scan3A_30 = scf.for %scan3A_35 = %scan3A_26 to %scan3A_28 step %scan3A_29 iter_args(%scan3A_36 = %broadcast_in_dim3A_25) -> (vector<16xi32>)  : i32 {
      %add3A_37 = arith.addi %mul3A_2, %scan3A_35 : i32
      %jit3A = arith.constant 16 : i32
      %div3A = arith.divsi %add3A_37, %jit3A : i32
      %sign3A = arith.constant 0 : i32
      %sign3A_38 = arith.cmpi sgt, %add3A_37, %sign3A : i32
      %sign3A_39 = arith.extui %sign3A_38 : i1 to i32
      %sign3A_40 = arith.constant 0 : i32
      %sign3A_41 = arith.cmpi slt, %add3A_37, %sign3A_40 : i32
      %sign3A_42 = arith.extui %sign3A_41 : i1 to i32
      %sign3A_43 = arith.subi %sign3A_39, %sign3A_42 : i32
      %sign3A_44 = arith.constant 0 : i32
      %sign3A_45 = arith.cmpi sgt, %jit3A, %sign3A_44 : i32
      %sign3A_46 = arith.extui %sign3A_45 : i1 to i32
      %sign3A_47 = arith.constant 0 : i32
      %sign3A_48 = arith.cmpi slt, %jit3A, %sign3A_47 : i32
      %sign3A_49 = arith.extui %sign3A_48 : i1 to i32
      %sign3A_50 = arith.subi %sign3A_46, %sign3A_49 : i32
      %ne3A = arith.cmpi ne, %sign3A_43, %sign3A_50 : i32
      %rem3A = arith.remsi %add3A_37, %jit3A : i32
      %ne3A_51 = arith.constant 0 : i32
      %ne3A_52 = arith.cmpi ne, %rem3A, %ne3A_51 : i32
      %and3A = arith.andi %ne3A, %ne3A_52 : i1
      %sub3A = arith.constant 1 : i32
      %sub3A_53 = arith.subi %div3A, %sub3A : i32
      %select_n3A = arith.select %and3A, %sub3A_53, %div3A : i32
      %mul3A_54 = arith.constant 16 : i32
      %mul3A_55 = arith.muli %select_n3A, %mul3A_54 : i32
      %get3A = arith.index_cast %mul3A_55 : i32 to index
      %get3A_56 = tpu.vector_load %arg12[%get3A] {strides = array<i32>} : memref<128xi32, #tpu.memory_space<vmem>>, vector<16xi32>,
      %jit3A_57 = arith.constant 16 : i32
      %eq3A = arith.constant 0 : i32
      %eq3A_58 = arith.cmpi eq, %jit3A_57, %eq3A : i32
      %jit3A_59 = arith.constant 1 : i32
      %select_n3A_60 = arith.select %eq3A_58, %jit3A_59, %jit3A_57 : i32
      %rem3A_61 = arith.remsi %add3A_37, %select_n3A_60 : i32
      %ne3A_62 = arith.constant 0 : i32
      %ne3A_63 = arith.cmpi ne, %rem3A_61, %ne3A_62 : i32
      %lt3A = arith.constant 0 : i32
      %lt3A_64 = arith.cmpi slt, %rem3A_61, %lt3A : i32
      %lt3A_65 = arith.constant 0 : i32
      %lt3A_66 = arith.cmpi slt, %select_n3A_60, %lt3A_65 : i32
      %ne3A_67 = arith.xori %lt3A_64, %lt3A_66 : i1
      %and3A_68 = arith.andi %ne3A_67, %ne3A_63 : i1
      %add3A_69 = arith.addi %rem3A_61, %select_n3A_60 : i32
      %select_n3A_70 = arith.select %and3A_68, %add3A_69, %rem3A_61 : i32
      %eq3A_71 = vector.broadcast %select_n3A_70 : i32 to vector<16xi32>
      %eq3A_72 = arith.cmpi eq, %iota3A, %eq3A_71 : vector<16xi32>
      %jit3A_73 = arith.constant 0 : i32
      %broadcast_in_dim3A_74 = vector.broadcast %jit3A_73 : i32 to vector<16xi32>
      %select_n3A_75 = arith.select %eq3A_72, %get3A_56, %broadcast_in_dim3A_74 : vector<16xi1>, vector<16xi32>
      %reduce_sum3A = arith.constant true
      %reduce_sum3A_76 = vector.broadcast %reduce_sum3A : i1 to vector<16xi1>
      %reduce_sum3A_77 = tpu.scan <sum>, %select_n3A_75 masked %reduce_sum3A_76 : vector<16xi32>, vector<16xi1> -> vector<16xi32>
      %reduce_sum3A_78 = vector.extract %reduce_sum3A_77[15] : i32 from vector<16xi32>
      %broadcast_in_dim3A_79 = arith.constant 0 : i32
      %broadcast_in_dim3A_80 = vector.broadcast %broadcast_in_dim3A_79 : i32 to vector<16xi32>
      %broadcast_in_dim3A_81 = arith.constant -2147483648 : i32
      %broadcast_in_dim3A_82 = vector.broadcast %broadcast_in_dim3A_81 : i32 to vector<16xi32>
      %scan3A_83 = arith.constant 0 : i32
      %scan3A_84 = arith.constant 32 : i32
      %scan3A_85 = arith.addi %scan3A_83, %scan3A_84 : i32
      %scan3A_86 = arith.constant 1 : i32
      %scan3A_87:2 = scf.for %scan3A_236 = %scan3A_83 to %scan3A_85 step %scan3A_86 iter_args(%scan3A_237 = %broadcast_in_dim3A_80, %scan3A_238 = %broadcast_in_dim3A_82) -> (vector<16xi32>, vector<16xi32>)  : i32 {
        %mul3A_239 = arith.constant 8 : i32
        %mul3A_240 = arith.muli %scan3A_236, %mul3A_239 : i32
        %add3A_241 = arith.constant 0 : i32
        %add3A_242 = arith.addi %mul3A_240, %add3A_241 : i32
        %mul3A_243 = arith.constant 16 : i32
        %mul3A_244 = arith.muli %add3A_242, %mul3A_243 : i32
        %get3A_245 = arith.index_cast %scan3A_35 : i32 to index
        %get3A_246 = arith.index_cast %mul3A_244 : i32 to index
        %get3A_247 = tpu.vector_load %arg10[%get3A_245, %get3A_246] {strides = array<i32>} : memref<4x4096xf32, #tpu.memory_space<vmem>>, vector<16xf32>,
        %mul3A_248 = arith.constant 16 : i32
        %mul3A_249 = arith.muli %add3A_242, %mul3A_248 : i32
        %get3A_250 = arith.index_cast %scan3A_35 : i32 to index
        %get3A_251 = arith.index_cast %mul3A_249 : i32 to index
        %get3A_252 = tpu.vector_load %arg11[%get3A_250, %get3A_251] {strides = array<i32>} : memref<4x4096xi32, #tpu.memory_space<vmem>>, vector<16xi32>,
        %ne3A_253 = arith.constant 0 : i32
        %ne3A_254 = vector.broadcast %ne3A_253 : i32 to vector<16xi32>
        %ne3A_255 = arith.cmpi ne, %get3A_252, %ne3A_254 : vector<16xi32>
        %bitcast3A = vector.bitcast %get3A_247 : vector<16xf32> to vector<16xi32>
        %shift_right_arithmetic3A_256 = arith.constant 31 : i32
        %shift_right_arithmetic3A_257 = vector.broadcast %shift_right_arithmetic3A_256 : i32 to vector<16xi32>
        %shift_right_arithmetic3A_258 = arith.shrsi %bitcast3A, %shift_right_arithmetic3A_257 : vector<16xi32>
        %and3A_259 = arith.constant 2147483647 : i32
        %and3A_260 = vector.broadcast %and3A_259 : i32 to vector<16xi32>
        %and3A_261 = arith.andi %shift_right_arithmetic3A_258, %and3A_260 : vector<16xi32>
        %xor3A = arith.xori %bitcast3A, %and3A_261 : vector<16xi32>
        %and3A_262 = arith.constant 1 : i32
        %and3A_263 = vector.broadcast %and3A_262 : i32 to vector<16xi32>
        %and3A_264 = arith.andi %shift_right_arithmetic3A_258, %and3A_263 : vector<16xi32>
        %add3A_265 = arith.addi %xor3A, %and3A_264 : vector<16xi32>
        %jit3A_266 = arith.constant -2147483648 : i32
        %broadcast_in_dim3A_267 = vector.broadcast %jit3A_266 : i32 to vector<16xi32>
        %select_n3A_268 = arith.select %ne3A_255, %add3A_265, %broadcast_in_dim3A_267 : vector<16xi1>, vector<16xi32>
        %mul3A_269 = arith.constant 16 : i32
        %mul3A_270 = arith.muli %add3A_242, %mul3A_269 : i32
        %swap3A_271 = arith.index_cast %mul3A_270 : i32 to index
        %swap3A_272 = tpu.vector_load %arg6[%swap3A_271] {strides = array<i32>} : memref<4096xi32, #tpu.memory_space<vmem>>, vector<16xi32>,
        tpu.vector_store %arg6[%swap3A_271], %select_n3A_268 {strides = array<i32>} : memref<4096xi32, #tpu.memory_space<vmem>>, vector<16xi32>,
        %shift_right_arithmetic3A_273 = arith.constant 20 : i32
        %shift_right_arithmetic3A_274 = vector.broadcast %shift_right_arithmetic3A_273 : i32 to vector<16xi32>
        %shift_right_arithmetic3A_275 = arith.shrsi %select_n3A_268, %shift_right_arithmetic3A_274 : vector<16xi32>
        %add3A_276 = arith.constant 2048 : i32
        %add3A_277 = vector.broadcast %add3A_276 : i32 to vector<16xi32>
        %add3A_278 = arith.addi %shift_right_arithmetic3A_275, %add3A_277 : vector<16xi32>
        tpu.vector_store_idx %arg7[%add3A_278], %broadcast_in_dim3A_10 {add = true} : memref<4096xi32, #tpu.memory_space<vmem>>[vector<16xi32>], vector<16xi32>,
        %all_reduce_population_count3A = tpu.all_reduce %ne3A_255 {dim = 0 : i64, kind = #tpu.reduction_kind<sum>} : vector<16xi1> -> vector<16xi32>
        %add3A_279 = arith.addi %scan3A_237, %all_reduce_population_count3A : vector<16xi32>
        %max3A_280 = arith.maxsi %scan3A_238, %select_n3A_268 : vector<16xi32>
        %mul3A_281 = arith.constant 8 : i32
        %mul3A_282 = arith.muli %scan3A_236, %mul3A_281 : i32
        %add3A_283 = arith.constant 1 : i32
        %add3A_284 = arith.addi %mul3A_282, %add3A_283 : i32
        %mul3A_285 = arith.constant 16 : i32
        %mul3A_286 = arith.muli %add3A_284, %mul3A_285 : i32
        %get3A_287 = arith.index_cast %scan3A_35 : i32 to index
        %get3A_288 = arith.index_cast %mul3A_286 : i32 to index
        %get3A_289 = tpu.vector_load %arg10[%get3A_287, %get3A_288] {strides = array<i32>} : memref<4x4096xf32, #tpu.memory_space<vmem>>, vector<16xf32>,
        %mul3A_290 = arith.constant 16 : i32
        %mul3A_291 = arith.muli %add3A_284, %mul3A_290 : i32
        %get3A_292 = arith.index_cast %scan3A_35 : i32 to index
        %get3A_293 = arith.index_cast %mul3A_291 : i32 to index
        %get3A_294 = tpu.vector_load %arg11[%get3A_292, %get3A_293] {strides = array<i32>} : memref<4x4096xi32, #tpu.memory_space<vmem>>, vector<16xi32>,
        %ne3A_295 = arith.constant 0 : i32
        %ne3A_296 = vector.broadcast %ne3A_295 : i32 to vector<16xi32>
        %ne3A_297 = arith.cmpi ne, %get3A_294, %ne3A_296 : vector<16xi32>
        %bitcast3A_298 = vector.bitcast %get3A_289 : vector<16xf32> to vector<16xi32>
        %shift_right_arithmetic3A_299 = arith.constant 31 : i32
        %shift_right_arithmetic3A_300 = vector.broadcast %shift_right_arithmetic3A_299 : i32 to vector<16xi32>
        %shift_right_arithmetic3A_301 = arith.shrsi %bitcast3A_298, %shift_right_arithmetic3A_300 : vector<16xi32>
        %and3A_302 = arith.constant 2147483647 : i32
        %and3A_303 = vector.broadcast %and3A_302 : i32 to vector<16xi32>
        %and3A_304 = arith.andi %shift_right_arithmetic3A_301, %and3A_303 : vector<16xi32>
        %xor3A_305 = arith.xori %bitcast3A_298, %and3A_304 : vector<16xi32>
        %and3A_306 = arith.constant 1 : i32
        %and3A_307 = vector.broadcast %and3A_306 : i32 to vector<16xi32>
        %and3A_308 = arith.andi %shift_right_arithmetic3A_301, %and3A_307 : vector<16xi32>
        %add3A_309 = arith.addi %xor3A_305, %and3A_308 : vector<16xi32>
        %jit3A_310 = arith.constant -2147483648 : i32
        %broadcast_in_dim3A_311 = vector.broadcast %jit3A_310 : i32 to vector<16xi32>
        %select_n3A_312 = arith.select %ne3A_297, %add3A_309, %broadcast_in_dim3A_311 : vector<16xi1>, vector<16xi32>
        %mul3A_313 = arith.constant 16 : i32
        %mul3A_314 = arith.muli %add3A_284, %mul3A_313 : i32
        %swap3A_315 = arith.index_cast %mul3A_314 : i32 to index
        %swap3A_316 = tpu.vector_load %arg6[%swap3A_315] {strides = array<i32>} : memref<4096xi32, #tpu.memory_space<vmem>>, vector<16xi32>,
        tpu.vector_store %arg6[%swap3A_315], %select_n3A_312 {strides = array<i32>} : memref<4096xi32, #tpu.memory_space<vmem>>, vector<16xi32>,
        %shift_right_arithmetic3A_317 = arith.constant 20 : i32
        %shift_right_arithmetic3A_318 = vector.broadcast %shift_right_arithmetic3A_317 : i32 to vector<16xi32>
        %shift_right_arithmetic3A_319 = arith.shrsi %select_n3A_312, %shift_right_arithmetic3A_318 : vector<16xi32>
        %add3A_320 = arith.constant 2048 : i32
        %add3A_321 = vector.broadcast %add3A_320 : i32 to vector<16xi32>
        %add3A_322 = arith.addi %shift_right_arithmetic3A_319, %add3A_321 : vector<16xi32>
        tpu.vector_store_idx %arg7[%add3A_322], %broadcast_in_dim3A_10 {add = true} : memref<4096xi32, #tpu.memory_space<vmem>>[vector<16xi32>], vector<16xi32>,
        %all_reduce_population_count3A_323 = tpu.all_reduce %ne3A_297 {dim = 0 : i64, kind = #tpu.reduction_kind<sum>} : vector<16xi1> -> vector<16xi32>
        %add3A_324 = arith.addi %add3A_279, %all_reduce_population_count3A_323 : vector<16xi32>
        %max3A_325 = arith.maxsi %max3A_280, %select_n3A_312 : vector<16xi32>
        %mul3A_326 = arith.constant 8 : i32
        %mul3A_327 = arith.muli %scan3A_236, %mul3A_326 : i32
        %add3A_328 = arith.constant 2 : i32
        %add3A_329 = arith.addi %mul3A_327, %add3A_328 : i32
        %mul3A_330 = arith.constant 16 : i32
        %mul3A_331 = arith.muli %add3A_329, %mul3A_330 : i32
        %get3A_332 = arith.index_cast %scan3A_35 : i32 to index
        %get3A_333 = arith.index_cast %mul3A_331 : i32 to index
        %get3A_334 = tpu.vector_load %arg10[%get3A_332, %get3A_333] {strides = array<i32>} : memref<4x4096xf32, #tpu.memory_space<vmem>>, vector<16xf32>,
        %mul3A_335 = arith.constant 16 : i32
        %mul3A_336 = arith.muli %add3A_329, %mul3A_335 : i32
        %get3A_337 = arith.index_cast %scan3A_35 : i32 to index
        %get3A_338 = arith.index_cast %mul3A_336 : i32 to index
        %get3A_339 = tpu.vector_load %arg11[%get3A_337, %get3A_338] {strides = array<i32>} : memref<4x4096xi32, #tpu.memory_space<vmem>>, vector<16xi32>,
        %ne3A_340 = arith.constant 0 : i32
        %ne3A_341 = vector.broadcast %ne3A_340 : i32 to vector<16xi32>
        %ne3A_342 = arith.cmpi ne, %get3A_339, %ne3A_341 : vector<16xi32>
        %bitcast3A_343 = vector.bitcast %get3A_334 : vector<16xf32> to vector<16xi32>
        %shift_right_arithmetic3A_344 = arith.constant 31 : i32
        %shift_right_arithmetic3A_345 = vector.broadcast %shift_right_arithmetic3A_344 : i32 to vector<16xi32>
        %shift_right_arithmetic3A_346 = arith.shrsi %bitcast3A_343, %shift_right_arithmetic3A_345 : vector<16xi32>
        %and3A_347 = arith.constant 2147483647 : i32
        %and3A_348 = vector.broadcast %and3A_347 : i32 to vector<16xi32>
        %and3A_349 = arith.andi %shift_right_arithmetic3A_346, %and3A_348 : vector<16xi32>
        %xor3A_350 = arith.xori %bitcast3A_343, %and3A_349 : vector<16xi32>
        %and3A_351 = arith.constant 1 : i32
        %and3A_352 = vector.broadcast %and3A_351 : i32 to vector<16xi32>
        %and3A_353 = arith.andi %shift_right_arithmetic3A_346, %and3A_352 : vector<16xi32>
        %add3A_354 = arith.addi %xor3A_350, %and3A_353 : vector<16xi32>
        %jit3A_355 = arith.constant -2147483648 : i32
        %broadcast_in_dim3A_356 = vector.broadcast %jit3A_355 : i32 to vector<16xi32>
        %select_n3A_357 = arith.select %ne3A_342, %add3A_354, %broadcast_in_dim3A_356 : vector<16xi1>, vector<16xi32>
        %mul3A_358 = arith.constant 16 : i32
        %mul3A_359 = arith.muli %add3A_329, %mul3A_358 : i32
        %swap3A_360 = arith.index_cast %mul3A_359 : i32 to index
        %swap3A_361 = tpu.vector_load %arg6[%swap3A_360] {strides = array<i32>} : memref<4096xi32, #tpu.memory_space<vmem>>, vector<16xi32>,
        tpu.vector_store %arg6[%swap3A_360], %select_n3A_357 {strides = array<i32>} : memref<4096xi32, #tpu.memory_space<vmem>>, vector<16xi32>,
        %shift_right_arithmetic3A_362 = arith.constant 20 : i32
        %shift_right_arithmetic3A_363 = vector.broadcast %shift_right_arithmetic3A_362 : i32 to vector<16xi32>
        %shift_right_arithmetic3A_364 = arith.shrsi %select_n3A_357, %shift_right_arithmetic3A_363 : vector<16xi32>
        %add3A_365 = arith.constant 2048 : i32
        %add3A_366 = vector.broadcast %add3A_365 : i32 to vector<16xi32>
        %add3A_367 = arith.addi %shift_right_arithmetic3A_364, %add3A_366 : vector<16xi32>
        tpu.vector_store_idx %arg7[%add3A_367], %broadcast_in_dim3A_10 {add = true} : memref<4096xi32, #tpu.memory_space<vmem>>[vector<16xi32>], vector<16xi32>,
        %all_reduce_population_count3A_368 = tpu.all_reduce %ne3A_342 {dim = 0 : i64, kind = #tpu.reduction_kind<sum>} : vector<16xi1> -> vector<16xi32>
        %add3A_369 = arith.addi %add3A_324, %all_reduce_population_count3A_368 : vector<16xi32>
        %max3A_370 = arith.maxsi %max3A_325, %select_n3A_357 : vector<16xi32>
        %mul3A_371 = arith.constant 8 : i32
        %mul3A_372 = arith.muli %scan3A_236, %mul3A_371 : i32
        %add3A_373 = arith.constant 3 : i32
        %add3A_374 = arith.addi %mul3A_372, %add3A_373 : i32
        %mul3A_375 = arith.constant 16 : i32
        %mul3A_376 = arith.muli %add3A_374, %mul3A_375 : i32
        %get3A_377 = arith.index_cast %scan3A_35 : i32 to index
        %get3A_378 = arith.index_cast %mul3A_376 : i32 to index
        %get3A_379 = tpu.vector_load %arg10[%get3A_377, %get3A_378] {strides = array<i32>} : memref<4x4096xf32, #tpu.memory_space<vmem>>, vector<16xf32>,
        %mul3A_380 = arith.constant 16 : i32
        %mul3A_381 = arith.muli %add3A_374, %mul3A_380 : i32
        %get3A_382 = arith.index_cast %scan3A_35 : i32 to index
        %get3A_383 = arith.index_cast %mul3A_381 : i32 to index
        %get3A_384 = tpu.vector_load %arg11[%get3A_382, %get3A_383] {strides = array<i32>} : memref<4x4096xi32, #tpu.memory_space<vmem>>, vector<16xi32>,
        %ne3A_385 = arith.constant 0 : i32
        %ne3A_386 = vector.broadcast %ne3A_385 : i32 to vector<16xi32>
        %ne3A_387 = arith.cmpi ne, %get3A_384, %ne3A_386 : vector<16xi32>
        %bitcast3A_388 = vector.bitcast %get3A_379 : vector<16xf32> to vector<16xi32>
        %shift_right_arithmetic3A_389 = arith.constant 31 : i32
        %shift_right_arithmetic3A_390 = vector.broadcast %shift_right_arithmetic3A_389 : i32 to vector<16xi32>
        %shift_right_arithmetic3A_391 = arith.shrsi %bitcast3A_388, %shift_right_arithmetic3A_390 : vector<16xi32>
        %and3A_392 = arith.constant 2147483647 : i32
        %and3A_393 = vector.broadcast %and3A_392 : i32 to vector<16xi32>
        %and3A_394 = arith.andi %shift_right_arithmetic3A_391, %and3A_393 : vector<16xi32>
        %xor3A_395 = arith.xori %bitcast3A_388, %and3A_394 : vector<16xi32>
        %and3A_396 = arith.constant 1 : i32
        %and3A_397 = vector.broadcast %and3A_396 : i32 to vector<16xi32>
        %and3A_398 = arith.andi %shift_right_arithmetic3A_391, %and3A_397 : vector<16xi32>
        %add3A_399 = arith.addi %xor3A_395, %and3A_398 : vector<16xi32>
        %jit3A_400 = arith.constant -2147483648 : i32
        %broadcast_in_dim3A_401 = vector.broadcast %jit3A_400 : i32 to vector<16xi32>
        %select_n3A_402 = arith.select %ne3A_387, %add3A_399, %broadcast_in_dim3A_401 : vector<16xi1>, vector<16xi32>
        %mul3A_403 = arith.constant 16 : i32
        %mul3A_404 = arith.muli %add3A_374, %mul3A_403 : i32
        %swap3A_405 = arith.index_cast %mul3A_404 : i32 to index
        %swap3A_406 = tpu.vector_load %arg6[%swap3A_405] {strides = array<i32>} : memref<4096xi32, #tpu.memory_space<vmem>>, vector<16xi32>,
        tpu.vector_store %arg6[%swap3A_405], %select_n3A_402 {strides = array<i32>} : memref<4096xi32, #tpu.memory_space<vmem>>, vector<16xi32>,
        %shift_right_arithmetic3A_407 = arith.constant 20 : i32
        %shift_right_arithmetic3A_408 = vector.broadcast %shift_right_arithmetic3A_407 : i32 to vector<16xi32>
        %shift_right_arithmetic3A_409 = arith.shrsi %select_n3A_402, %shift_right_arithmetic3A_408 : vector<16xi32>
        %add3A_410 = arith.constant 2048 : i32
        %add3A_411 = vector.broadcast %add3A_410 : i32 to vector<16xi32>
        %add3A_412 = arith.addi %shift_right_arithmetic3A_409, %add3A_411 : vector<16xi32>
        tpu.vector_store_idx %arg7[%add3A_412], %broadcast_in_dim3A_10 {add = true} : memref<4096xi32, #tpu.memory_space<vmem>>[vector<16xi32>], vector<16xi32>,
        %all_reduce_population_count3A_413 = tpu.all_reduce %ne3A_387 {dim = 0 : i64, kind = #tpu.reduction_kind<sum>} : vector<16xi1> -> vector<16xi32>
        %add3A_414 = arith.addi %add3A_369, %all_reduce_population_count3A_413 : vector<16xi32>
        %max3A_415 = arith.maxsi %max3A_370, %select_n3A_402 : vector<16xi32>
        %mul3A_416 = arith.constant 8 : i32
        %mul3A_417 = arith.muli %scan3A_236, %mul3A_416 : i32
        %add3A_418 = arith.constant 4 : i32
        %add3A_419 = arith.addi %mul3A_417, %add3A_418 : i32
        %mul3A_420 = arith.constant 16 : i32
        %mul3A_421 = arith.muli %add3A_419, %mul3A_420 : i32
        %get3A_422 = arith.index_cast %scan3A_35 : i32 to index
        %get3A_423 = arith.index_cast %mul3A_421 : i32 to index
        %get3A_424 = tpu.vector_load %arg10[%get3A_422, %get3A_423] {strides = array<i32>} : memref<4x4096xf32, #tpu.memory_space<vmem>>, vector<16xf32>,
        %mul3A_425 = arith.constant 16 : i32
        %mul3A_426 = arith.muli %add3A_419, %mul3A_425 : i32
        %get3A_427 = arith.index_cast %scan3A_35 : i32 to index
        %get3A_428 = arith.index_cast %mul3A_426 : i32 to index
        %get3A_429 = tpu.vector_load %arg11[%get3A_427, %get3A_428] {strides = array<i32>} : memref<4x4096xi32, #tpu.memory_space<vmem>>, vector<16xi32>,
        %ne3A_430 = arith.constant 0 : i32
        %ne3A_431 = vector.broadcast %ne3A_430 : i32 to vector<16xi32>
        %ne3A_432 = arith.cmpi ne, %get3A_429, %ne3A_431 : vector<16xi32>
        %bitcast3A_433 = vector.bitcast %get3A_424 : vector<16xf32> to vector<16xi32>
        %shift_right_arithmetic3A_434 = arith.constant 31 : i32
        %shift_right_arithmetic3A_435 = vector.broadcast %shift_right_arithmetic3A_434 : i32 to vector<16xi32>
        %shift_right_arithmetic3A_436 = arith.shrsi %bitcast3A_433, %shift_right_arithmetic3A_435 : vector<16xi32>
        %and3A_437 = arith.constant 2147483647 : i32
        %and3A_438 = vector.broadcast %and3A_437 : i32 to vector<16xi32>
        %and3A_439 = arith.andi %shift_right_arithmetic3A_436, %and3A_438 : vector<16xi32>
        %xor3A_440 = arith.xori %bitcast3A_433, %and3A_439 : vector<16xi32>
        %and3A_441 = arith.constant 1 : i32
        %and3A_442 = vector.broadcast %and3A_441 : i32 to vector<16xi32>
        %and3A_443 = arith.andi %shift_right_arithmetic3A_436, %and3A_442 : vector<16xi32>
        %add3A_444 = arith.addi %xor3A_440, %and3A_443 : vector<16xi32>
        %jit3A_445 = arith.constant -2147483648 : i32
        %broadcast_in_dim3A_446 = vector.broadcast %jit3A_445 : i32 to vector<16xi32>
        %select_n3A_447 = arith.select %ne3A_432, %add3A_444, %broadcast_in_dim3A_446 : vector<16xi1>, vector<16xi32>
        %mul3A_448 = arith.constant 16 : i32
        %mul3A_449 = arith.muli %add3A_419, %mul3A_448 : i32
        %swap3A_450 = arith.index_cast %mul3A_449 : i32 to index
        %swap3A_451 = tpu.vector_load %arg6[%swap3A_450] {strides = array<i32>} : memref<4096xi32, #tpu.memory_space<vmem>>, vector<16xi32>,
        tpu.vector_store %arg6[%swap3A_450], %select_n3A_447 {strides = array<i32>} : memref<4096xi32, #tpu.memory_space<vmem>>, vector<16xi32>,
        %shift_right_arithmetic3A_452 = arith.constant 20 : i32
        %shift_right_arithmetic3A_453 = vector.broadcast %shift_right_arithmetic3A_452 : i32 to vector<16xi32>
        %shift_right_arithmetic3A_454 = arith.shrsi %select_n3A_447, %shift_right_arithmetic3A_453 : vector<16xi32>
        %add3A_455 = arith.constant 2048 : i32
        %add3A_456 = vector.broadcast %add3A_455 : i32 to vector<16xi32>
        %add3A_457 = arith.addi %shift_right_arithmetic3A_454, %add3A_456 : vector<16xi32>
        tpu.vector_store_idx %arg7[%add3A_457], %broadcast_in_dim3A_10 {add = true} : memref<4096xi32, #tpu.memory_space<vmem>>[vector<16xi32>], vector<16xi32>,
        %all_reduce_population_count3A_458 = tpu.all_reduce %ne3A_432 {dim = 0 : i64, kind = #tpu.reduction_kind<sum>} : vector<16xi1> -> vector<16xi32>
        %add3A_459 = arith.addi %add3A_414, %all_reduce_population_count3A_458 : vector<16xi32>
        %max3A_460 = arith.maxsi %max3A_415, %select_n3A_447 : vector<16xi32>
        %mul3A_461 = arith.constant 8 : i32
        %mul3A_462 = arith.muli %scan3A_236, %mul3A_461 : i32
        %add3A_463 = arith.constant 5 : i32
        %add3A_464 = arith.addi %mul3A_462, %add3A_463 : i32
        %mul3A_465 = arith.constant 16 : i32
        %mul3A_466 = arith.muli %add3A_464, %mul3A_465 : i32
        %get3A_467 = arith.index_cast %scan3A_35 : i32 to index
        %get3A_468 = arith.index_cast %mul3A_466 : i32 to index
        %get3A_469 = tpu.vector_load %arg10[%get3A_467, %get3A_468] {strides = array<i32>} : memref<4x4096xf32, #tpu.memory_space<vmem>>, vector<16xf32>,
        %mul3A_470 = arith.constant 16 : i32
        %mul3A_471 = arith.muli %add3A_464, %mul3A_470 : i32
        %get3A_472 = arith.index_cast %scan3A_35 : i32 to index
        %get3A_473 = arith.index_cast %mul3A_471 : i32 to index
        %get3A_474 = tpu.vector_load %arg11[%get3A_472, %get3A_473] {strides = array<i32>} : memref<4x4096xi32, #tpu.memory_space<vmem>>, vector<16xi32>,
        %ne3A_475 = arith.constant 0 : i32
        %ne3A_476 = vector.broadcast %ne3A_475 : i32 to vector<16xi32>
        %ne3A_477 = arith.cmpi ne, %get3A_474, %ne3A_476 : vector<16xi32>
        %bitcast3A_478 = vector.bitcast %get3A_469 : vector<16xf32> to vector<16xi32>
        %shift_right_arithmetic3A_479 = arith.constant 31 : i32
        %shift_right_arithmetic3A_480 = vector.broadcast %shift_right_arithmetic3A_479 : i32 to vector<16xi32>
        %shift_right_arithmetic3A_481 = arith.shrsi %bitcast3A_478, %shift_right_arithmetic3A_480 : vector<16xi32>
        %and3A_482 = arith.constant 2147483647 : i32
        %and3A_483 = vector.broadcast %and3A_482 : i32 to vector<16xi32>
        %and3A_484 = arith.andi %shift_right_arithmetic3A_481, %and3A_483 : vector<16xi32>
        %xor3A_485 = arith.xori %bitcast3A_478, %and3A_484 : vector<16xi32>
        %and3A_486 = arith.constant 1 : i32
        %and3A_487 = vector.broadcast %and3A_486 : i32 to vector<16xi32>
        %and3A_488 = arith.andi %shift_right_arithmetic3A_481, %and3A_487 : vector<16xi32>
        %add3A_489 = arith.addi %xor3A_485, %and3A_488 : vector<16xi32>
        %jit3A_490 = arith.constant -2147483648 : i32
        %broadcast_in_dim3A_491 = vector.broadcast %jit3A_490 : i32 to vector<16xi32>
        %select_n3A_492 = arith.select %ne3A_477, %add3A_489, %broadcast_in_dim3A_491 : vector<16xi1>, vector<16xi32>
        %mul3A_493 = arith.constant 16 : i32
        %mul3A_494 = arith.muli %add3A_464, %mul3A_493 : i32
        %swap3A_495 = arith.index_cast %mul3A_494 : i32 to index
        %swap3A_496 = tpu.vector_load %arg6[%swap3A_495] {strides = array<i32>} : memref<4096xi32, #tpu.memory_space<vmem>>, vector<16xi32>,
        tpu.vector_store %arg6[%swap3A_495], %select_n3A_492 {strides = array<i32>} : memref<4096xi32, #tpu.memory_space<vmem>>, vector<16xi32>,
        %shift_right_arithmetic3A_497 = arith.constant 20 : i32
        %shift_right_arithmetic3A_498 = vector.broadcast %shift_right_arithmetic3A_497 : i32 to vector<16xi32>
        %shift_right_arithmetic3A_499 = arith.shrsi %select_n3A_492, %shift_right_arithmetic3A_498 : vector<16xi32>
        %add3A_500 = arith.constant 2048 : i32
        %add3A_501 = vector.broadcast %add3A_500 : i32 to vector<16xi32>
        %add3A_502 = arith.addi %shift_right_arithmetic3A_499, %add3A_501 : vector<16xi32>
        tpu.vector_store_idx %arg7[%add3A_502], %broadcast_in_dim3A_10 {add = true} : memref<4096xi32, #tpu.memory_space<vmem>>[vector<16xi32>], vector<16xi32>,
        %all_reduce_population_count3A_503 = tpu.all_reduce %ne3A_477 {dim = 0 : i64, kind = #tpu.reduction_kind<sum>} : vector<16xi1> -> vector<16xi32>
        %add3A_504 = arith.addi %add3A_459, %all_reduce_population_count3A_503 : vector<16xi32>
        %max3A_505 = arith.maxsi %max3A_460, %select_n3A_492 : vector<16xi32>
        %mul3A_506 = arith.constant 8 : i32
        %mul3A_507 = arith.muli %scan3A_236, %mul3A_506 : i32
        %add3A_508 = arith.constant 6 : i32
        %add3A_509 = arith.addi %mul3A_507, %add3A_508 : i32
        %mul3A_510 = arith.constant 16 : i32
        %mul3A_511 = arith.muli %add3A_509, %mul3A_510 : i32
        %get3A_512 = arith.index_cast %scan3A_35 : i32 to index
        %get3A_513 = arith.index_cast %mul3A_511 : i32 to index
        %get3A_514 = tpu.vector_load %arg10[%get3A_512, %get3A_513] {strides = array<i32>} : memref<4x4096xf32, #tpu.memory_space<vmem>>, vector<16xf32>,
        %mul3A_515 = arith.constant 16 : i32
        %mul3A_516 = arith.muli %add3A_509, %mul3A_515 : i32
        %get3A_517 = arith.index_cast %scan3A_35 : i32 to index
        %get3A_518 = arith.index_cast %mul3A_516 : i32 to index
        %get3A_519 = tpu.vector_load %arg11[%get3A_517, %get3A_518] {strides = array<i32>} : memref<4x4096xi32, #tpu.memory_space<vmem>>, vector<16xi32>,
        %ne3A_520 = arith.constant 0 : i32
        %ne3A_521 = vector.broadcast %ne3A_520 : i32 to vector<16xi32>
        %ne3A_522 = arith.cmpi ne, %get3A_519, %ne3A_521 : vector<16xi32>
        %bitcast3A_523 = vector.bitcast %get3A_514 : vector<16xf32> to vector<16xi32>
        %shift_right_arithmetic3A_524 = arith.constant 31 : i32
        %shift_right_arithmetic3A_525 = vector.broadcast %shift_right_arithmetic3A_524 : i32 to vector<16xi32>
        %shift_right_arithmetic3A_526 = arith.shrsi %bitcast3A_523, %shift_right_arithmetic3A_525 : vector<16xi32>
        %and3A_527 = arith.constant 2147483647 : i32
        %and3A_528 = vector.broadcast %and3A_527 : i32 to vector<16xi32>
        %and3A_529 = arith.andi %shift_right_arithmetic3A_526, %and3A_528 : vector<16xi32>
        %xor3A_530 = arith.xori %bitcast3A_523, %and3A_529 : vector<16xi32>
        %and3A_531 = arith.constant 1 : i32
        %and3A_532 = vector.broadcast %and3A_531 : i32 to vector<16xi32>
        %and3A_533 = arith.andi %shift_right_arithmetic3A_526, %and3A_532 : vector<16xi32>
        %add3A_534 = arith.addi %xor3A_530, %and3A_533 : vector<16xi32>
        %jit3A_535 = arith.constant -2147483648 : i32
        %broadcast_in_dim3A_536 = vector.broadcast %jit3A_535 : i32 to vector<16xi32>
        %select_n3A_537 = arith.select %ne3A_522, %add3A_534, %broadcast_in_dim3A_536 : vector<16xi1>, vector<16xi32>
        %mul3A_538 = arith.constant 16 : i32
        %mul3A_539 = arith.muli %add3A_509, %mul3A_538 : i32
        %swap3A_540 = arith.index_cast %mul3A_539 : i32 to index
        %swap3A_541 = tpu.vector_load %arg6[%swap3A_540] {strides = array<i32>} : memref<4096xi32, #tpu.memory_space<vmem>>, vector<16xi32>,
        tpu.vector_store %arg6[%swap3A_540], %select_n3A_537 {strides = array<i32>} : memref<4096xi32, #tpu.memory_space<vmem>>, vector<16xi32>,
        %shift_right_arithmetic3A_542 = arith.constant 20 : i32
        %shift_right_arithmetic3A_543 = vector.broadcast %shift_right_arithmetic3A_542 : i32 to vector<16xi32>
        %shift_right_arithmetic3A_544 = arith.shrsi %select_n3A_537, %shift_right_arithmetic3A_543 : vector<16xi32>
        %add3A_545 = arith.constant 2048 : i32
        %add3A_546 = vector.broadcast %add3A_545 : i32 to vector<16xi32>
        %add3A_547 = arith.addi %shift_right_arithmetic3A_544, %add3A_546 : vector<16xi32>
        tpu.vector_store_idx %arg7[%add3A_547], %broadcast_in_dim3A_10 {add = true} : memref<4096xi32, #tpu.memory_space<vmem>>[vector<16xi32>], vector<16xi32>,
        %all_reduce_population_count3A_548 = tpu.all_reduce %ne3A_522 {dim = 0 : i64, kind = #tpu.reduction_kind<sum>} : vector<16xi1> -> vector<16xi32>
        %add3A_549 = arith.addi %add3A_504, %all_reduce_population_count3A_548 : vector<16xi32>
        %max3A_550 = arith.maxsi %max3A_505, %select_n3A_537 : vector<16xi32>
        %mul3A_551 = arith.constant 8 : i32
        %mul3A_552 = arith.muli %scan3A_236, %mul3A_551 : i32
        %add3A_553 = arith.constant 7 : i32
        %add3A_554 = arith.addi %mul3A_552, %add3A_553 : i32
        %mul3A_555 = arith.constant 16 : i32
        %mul3A_556 = arith.muli %add3A_554, %mul3A_555 : i32
        %get3A_557 = arith.index_cast %scan3A_35 : i32 to index
        %get3A_558 = arith.index_cast %mul3A_556 : i32 to index
        %get3A_559 = tpu.vector_load %arg10[%get3A_557, %get3A_558] {strides = array<i32>} : memref<4x4096xf32, #tpu.memory_space<vmem>>, vector<16xf32>,
        %mul3A_560 = arith.constant 16 : i32
        %mul3A_561 = arith.muli %add3A_554, %mul3A_560 : i32
        %get3A_562 = arith.index_cast %scan3A_35 : i32 to index
        %get3A_563 = arith.index_cast %mul3A_561 : i32 to index
        %get3A_564 = tpu.vector_load %arg11[%get3A_562, %get3A_563] {strides = array<i32>} : memref<4x4096xi32, #tpu.memory_space<vmem>>, vector<16xi32>,
        %ne3A_565 = arith.constant 0 : i32
        %ne3A_566 = vector.broadcast %ne3A_565 : i32 to vector<16xi32>
        %ne3A_567 = arith.cmpi ne, %get3A_564, %ne3A_566 : vector<16xi32>
        %bitcast3A_568 = vector.bitcast %get3A_559 : vector<16xf32> to vector<16xi32>
        %shift_right_arithmetic3A_569 = arith.constant 31 : i32
        %shift_right_arithmetic3A_570 = vector.broadcast %shift_right_arithmetic3A_569 : i32 to vector<16xi32>
        %shift_right_arithmetic3A_571 = arith.shrsi %bitcast3A_568, %shift_right_arithmetic3A_570 : vector<16xi32>
        %and3A_572 = arith.constant 2147483647 : i32
        %and3A_573 = vector.broadcast %and3A_572 : i32 to vector<16xi32>
        %and3A_574 = arith.andi %shift_right_arithmetic3A_571, %and3A_573 : vector<16xi32>
        %xor3A_575 = arith.xori %bitcast3A_568, %and3A_574 : vector<16xi32>
        %and3A_576 = arith.constant 1 : i32
        %and3A_577 = vector.broadcast %and3A_576 : i32 to vector<16xi32>
        %and3A_578 = arith.andi %shift_right_arithmetic3A_571, %and3A_577 : vector<16xi32>
        %add3A_579 = arith.addi %xor3A_575, %and3A_578 : vector<16xi32>
        %jit3A_580 = arith.constant -2147483648 : i32
        %broadcast_in_dim3A_581 = vector.broadcast %jit3A_580 : i32 to vector<16xi32>
        %select_n3A_582 = arith.select %ne3A_567, %add3A_579, %broadcast_in_dim3A_581 : vector<16xi1>, vector<16xi32>
        %mul3A_583 = arith.constant 16 : i32
        %mul3A_584 = arith.muli %add3A_554, %mul3A_583 : i32
        %swap3A_585 = arith.index_cast %mul3A_584 : i32 to index
        %swap3A_586 = tpu.vector_load %arg6[%swap3A_585] {strides = array<i32>} : memref<4096xi32, #tpu.memory_space<vmem>>, vector<16xi32>,
        tpu.vector_store %arg6[%swap3A_585], %select_n3A_582 {strides = array<i32>} : memref<4096xi32, #tpu.memory_space<vmem>>, vector<16xi32>,
        %shift_right_arithmetic3A_587 = arith.constant 20 : i32
        %shift_right_arithmetic3A_588 = vector.broadcast %shift_right_arithmetic3A_587 : i32 to vector<16xi32>
        %shift_right_arithmetic3A_589 = arith.shrsi %select_n3A_582, %shift_right_arithmetic3A_588 : vector<16xi32>
        %add3A_590 = arith.constant 2048 : i32
        %add3A_591 = vector.broadcast %add3A_590 : i32 to vector<16xi32>
        %add3A_592 = arith.addi %shift_right_arithmetic3A_589, %add3A_591 : vector<16xi32>
        tpu.vector_store_idx %arg7[%add3A_592], %broadcast_in_dim3A_10 {add = true} : memref<4096xi32, #tpu.memory_space<vmem>>[vector<16xi32>], vector<16xi32>,
        %all_reduce_population_count3A_593 = tpu.all_reduce %ne3A_567 {dim = 0 : i64, kind = #tpu.reduction_kind<sum>} : vector<16xi1> -> vector<16xi32>
        %add3A_594 = arith.addi %add3A_549, %all_reduce_population_count3A_593 : vector<16xi32>
        %max3A_595 = arith.maxsi %max3A_550, %select_n3A_582 : vector<16xi32>
        scf.yield %add3A_594, %max3A_595 : vector<16xi32>, vector<16xi32>
      }
      %scan3A_88 = arith.constant 32 : i32
      %reduce_max3A = arith.constant true
      %reduce_max3A_89 = vector.broadcast %reduce_max3A : i1 to vector<16xi1>
      %reduce_max3A_90 = arith.constant -2147483648 : i32
      %reduce_max3A_91 = vector.broadcast %reduce_max3A_90 : i32 to vector<16xi32>
      %reduce_max3A_92 = arith.xori %scan3A_87#0, %reduce_max3A_91 : vector<16xi32>
      %reduce_max3A_93 = tpu.scan <max>, %reduce_max3A_92 masked %reduce_max3A_89 : vector<16xi32>, vector<16xi1> -> vector<16xi32>
      %reduce_max3A_94 = arith.xori %reduce_max3A_93, %reduce_max3A_91 : vector<16xi32>
      %reduce_max3A_95 = vector.extract %reduce_max3A_94[15] : i32 from vector<16xi32>
      %reduce_max3A_96 = arith.constant true
      %reduce_max3A_97 = vector.broadcast %reduce_max3A_96 : i1 to vector<16xi1>
      %reduce_max3A_98 = arith.constant -2147483648 : i32
      %reduce_max3A_99 = vector.broadcast %reduce_max3A_98 : i32 to vector<16xi32>
      %reduce_max3A_100 = arith.xori %scan3A_87#1, %reduce_max3A_99 : vector<16xi32>
      %reduce_max3A_101 = tpu.scan <max>, %reduce_max3A_100 masked %reduce_max3A_97 : vector<16xi32>, vector<16xi1> -> vector<16xi32>
      %reduce_max3A_102 = arith.xori %reduce_max3A_101, %reduce_max3A_99 : vector<16xi32>
      %reduce_max3A_103 = vector.extract %reduce_max3A_102[15] : i32 from vector<16xi32>
      %min3A = arith.minsi %reduce_max3A_95, %reduce_sum3A_78 : i32
      %shift_right_arithmetic3A = arith.constant 20 : i32
      %shift_right_arithmetic3A_104 = arith.shrsi %reduce_max3A_103, %shift_right_arithmetic3A : i32
      %add3A_105 = arith.constant 2048 : i32
      %add3A_106 = arith.addi %shift_right_arithmetic3A_104, %add3A_105 : i32
      %jit3A_107 = arith.constant 16 : i32
      %div3A_108 = arith.divsi %add3A_106, %jit3A_107 : i32
      %sign3A_109 = arith.constant 0 : i32
      %sign3A_110 = arith.cmpi sgt, %add3A_106, %sign3A_109 : i32
      %sign3A_111 = arith.extui %sign3A_110 : i1 to i32
      %sign3A_112 = arith.constant 0 : i32
      %sign3A_113 = arith.cmpi slt, %add3A_106, %sign3A_112 : i32
      %sign3A_114 = arith.extui %sign3A_113 : i1 to i32
      %sign3A_115 = arith.subi %sign3A_111, %sign3A_114 : i32
      %sign3A_116 = arith.constant 0 : i32
      %sign3A_117 = arith.cmpi sgt, %jit3A_107, %sign3A_116 : i32
      %sign3A_118 = arith.extui %sign3A_117 : i1 to i32
      %sign3A_119 = arith.constant 0 : i32
      %sign3A_120 = arith.cmpi slt, %jit3A_107, %sign3A_119 : i32
      %sign3A_121 = arith.extui %sign3A_120 : i1 to i32
      %sign3A_122 = arith.subi %sign3A_118, %sign3A_121 : i32
      %ne3A_123 = arith.cmpi ne, %sign3A_115, %sign3A_122 : i32
      %rem3A_124 = arith.remsi %add3A_106, %jit3A_107 : i32
      %ne3A_125 = arith.constant 0 : i32
      %ne3A_126 = arith.cmpi ne, %rem3A_124, %ne3A_125 : i32
      %and3A_127 = arith.andi %ne3A_123, %ne3A_126 : i1
      %sub3A_128 = arith.constant 1 : i32
      %sub3A_129 = arith.subi %div3A_108, %sub3A_128 : i32
      %select_n3A_130 = arith.select %and3A_127, %sub3A_129, %div3A_108 : i32
      %while3A = arith.constant 0 : i32
      %while3A_131:2 = scf.while (%while3A_236 = %select_n3A_130, %while3A_237 = %while3A) : (i32, i32) -> (i32, i32) {
        %lt3A_238 = arith.cmpi slt, %while3A_237, %min3A : i32
        %ge3A_239 = arith.constant 0 : i32
        %ge3A_240 = arith.cmpi sge, %while3A_236, %ge3A_239 : i32
        %and3A_241 = arith.andi %lt3A_238, %ge3A_240 : i1
        scf.condition(%and3A_241) %while3A_236, %while3A_237 : i32, i32
      } do {
      ^bb0(%while3A_236: i32, %while3A_237: i32):
        %sub3A_238 = arith.constant 1 : i32
        %sub3A_239 = arith.subi %while3A_236, %sub3A_238 : i32
        %mul3A_240 = arith.constant 16 : i32
        %mul3A_241 = arith.muli %while3A_236, %mul3A_240 : i32
        %get3A_242 = arith.index_cast %mul3A_241 : i32 to index
        %get3A_243 = tpu.vector_load %arg7[%get3A_242] {strides = array<i32>} : memref<4096xi32, #tpu.memory_space<vmem>>, vector<16xi32>,
        %reduce_sum3A_244 = arith.constant true
        %reduce_sum3A_245 = vector.broadcast %reduce_sum3A_244 : i1 to vector<16xi1>
        %reduce_sum3A_246 = tpu.scan <sum>, %get3A_243 masked %reduce_sum3A_245 : vector<16xi32>, vector<16xi1> -> vector<16xi32>
        %reduce_sum3A_247 = vector.extract %reduce_sum3A_246[15] : i32 from vector<16xi32>
        %add3A_248 = arith.addi %while3A_237, %reduce_sum3A_247 : i32
        scf.yield %sub3A_239, %add3A_248 : i32, i32
      }
      %add3A_132 = arith.constant 1 : i32
      %add3A_133 = arith.addi %while3A_131#0, %add3A_132 : i32
      %min3A_134 = arith.constant 255 : i32
      %min3A_135 = arith.minsi %add3A_133, %min3A_134 : i32
      %mul3A_136 = arith.constant 16 : i32
      %mul3A_137 = arith.muli %min3A_135, %mul3A_136 : i32
      %get3A_138 = arith.index_cast %mul3A_137 : i32 to index
      %get3A_139 = tpu.vector_load %arg7[%get3A_138] {strides = array<i32>} : memref<4096xi32, #tpu.memory_space<vmem>>, vector<16xi32>,
      %reduce_sum3A_140 = arith.constant true
      %reduce_sum3A_141 = vector.broadcast %reduce_sum3A_140 : i1 to vector<16xi1>
      %reduce_sum3A_142 = tpu.scan <sum>, %get3A_139 masked %reduce_sum3A_141 : vector<16xi32>, vector<16xi1> -> vector<16xi32>
      %reduce_sum3A_143 = vector.extract %reduce_sum3A_142[15] : i32 from vector<16xi32>
      %sub3A_144 = arith.subi %while3A_131#1, %reduce_sum3A_143 : i32
      %rev3A = arith.constant 15 : i32
      %rev3A_145 = vector.broadcast %rev3A : i32 to vector<16xi32>
      %rev3A_146 = tpu.iota {dimensions = array<i32: 0>} : vector<16xi32>
      %rev3A_147 = arith.subi %rev3A_145, %rev3A_146 : vector<16xi32>
      %rev3A_148 = tpu.dynamic_gather %get3A_139[%rev3A_147] in [0] : vector<16xi32>, vector<16xi32> -> vector<16xi32>
      %broadcast_in_dim3A_149 = arith.constant true
      %broadcast_in_dim3A_150 = vector.broadcast %broadcast_in_dim3A_149 : i1 to vector<16xi1>
      %masked_cumsum3A = tpu.scan <sum>, %rev3A_148 masked %broadcast_in_dim3A_150 : vector<16xi32>, vector<16xi1> -> vector<16xi32>
      %add3A_151 = vector.broadcast %sub3A_144 : i32 to vector<16xi32>
      %add3A_152 = arith.addi %masked_cumsum3A, %add3A_151 : vector<16xi32>
      %ge3A = vector.broadcast %min3A : i32 to vector<16xi32>
      %ge3A_153 = arith.cmpi sge, %add3A_152, %ge3A : vector<16xi32>
      %all_reduce_ffs3A = tpu.all_reduce %ge3A_153 {dim = 0 : i64, kind = #tpu.reduction_kind<find_first_set>} : vector<16xi1> -> vector<16xi32>
      %mul3A_154 = arith.constant 16 : i32
      %mul3A_155 = arith.muli %min3A_135, %mul3A_154 : i32
      %add3A_156 = arith.constant 15 : i32
      %add3A_157 = arith.addi %mul3A_155, %add3A_156 : i32
      %sub3A_158 = vector.broadcast %add3A_157 : i32 to vector<16xi32>
      %sub3A_159 = arith.subi %sub3A_158, %all_reduce_ffs3A : vector<16xi32>
      %max3A = arith.constant 0 : i32
      %max3A_160 = vector.broadcast %max3A : i32 to vector<16xi32>
      %max3A_161 = arith.maxsi %sub3A_159, %max3A_160 : vector<16xi32>
      %mul3A_162 = arith.constant 16 : i32
      %mul3A_163 = arith.muli %min3A_135, %mul3A_162 : i32
      %add3A_164 = vector.broadcast %mul3A_163 : i32 to vector<16xi32>
      %add3A_165 = arith.addi %add3A_164, %iota3A : vector<16xi32>
      %gt3A = arith.cmpi sgt, %add3A_165, %max3A_161 : vector<16xi32>
      %jit3A_166 = arith.constant 0 : i32
      %broadcast_in_dim3A_167 = vector.broadcast %jit3A_166 : i32 to vector<16xi32>
      %select_n3A_168 = arith.select %gt3A, %get3A_139, %broadcast_in_dim3A_167 : vector<16xi1>, vector<16xi32>
      %reduce_sum3A_169 = arith.constant true
      %reduce_sum3A_170 = vector.broadcast %reduce_sum3A_169 : i1 to vector<16xi1>
      %reduce_sum3A_171 = tpu.scan <sum>, %select_n3A_168 masked %reduce_sum3A_170 : vector<16xi32>, vector<16xi1> -> vector<16xi32>
      %reduce_sum3A_172 = vector.extract %reduce_sum3A_171[15] : i32 from vector<16xi32>
      %add3A_173 = arith.addi %sub3A_144, %reduce_sum3A_172 : i32
      %gather3A = tpu.vector_load_idx %arg7[%max3A_161] : memref<4096xi32, #tpu.memory_space<vmem>>[vector<16xi32>], vector<16xi32>,
      %sub3A_174 = arith.subi %min3A, %add3A_173 : i32
      %sub3A_175 = arith.constant 2048 : i32
      %sub3A_176 = vector.broadcast %sub3A_175 : i32 to vector<16xi32>
      %sub3A_177 = arith.subi %max3A_161, %sub3A_176 : vector<16xi32>
      %shift_left3A = arith.constant 20 : i32
      %shift_left3A_178 = vector.broadcast %shift_left3A : i32 to vector<16xi32>
      %shift_left3A_179 = arith.shli %sub3A_177, %shift_left3A_178 : vector<16xi32>
      %broadcast_in_dim3A_180 = arith.constant 0 : i32
      %broadcast_in_dim3A_181 = vector.broadcast %broadcast_in_dim3A_180 : i32 to vector<16xi32>
      %reduce_max3A_182 = arith.constant true
      %reduce_max3A_183 = vector.broadcast %reduce_max3A_182 : i1 to vector<16xi1>
      %reduce_max3A_184 = arith.constant -2147483648 : i32
      %reduce_max3A_185 = vector.broadcast %reduce_max3A_184 : i32 to vector<16xi32>
      %reduce_max3A_186 = arith.xori %gather3A, %reduce_max3A_185 : vector<16xi32>
      %reduce_max3A_187 = tpu.scan <max>, %reduce_max3A_186 masked %reduce_max3A_183 : vector<16xi32>, vector<16xi1> -> vector<16xi32>
      %reduce_max3A_188 = arith.xori %reduce_max3A_187, %reduce_max3A_185 : vector<16xi32>
      %reduce_max3A_189 = vector.extract %reduce_max3A_188[15] : i32 from vector<16xi32>
      %add3A_190 = arith.addi %add3A_173, %reduce_max3A_189 : i32
      %eq3A_191 = arith.cmpi eq, %add3A_190, %min3A : i32
      %reduce_max3A_192 = arith.constant true
      %reduce_max3A_193 = vector.broadcast %reduce_max3A_192 : i1 to vector<16xi1>
      %reduce_max3A_194 = arith.constant -2147483648 : i32
      %reduce_max3A_195 = vector.broadcast %reduce_max3A_194 : i32 to vector<16xi32>
      %reduce_max3A_196 = arith.xori %max3A_161, %reduce_max3A_195 : vector<16xi32>
      %reduce_max3A_197 = tpu.scan <max>, %reduce_max3A_196 masked %reduce_max3A_193 : vector<16xi32>, vector<16xi1> -> vector<16xi32>
      %reduce_max3A_198 = arith.xori %reduce_max3A_197, %reduce_max3A_195 : vector<16xi32>
      %reduce_max3A_199 = vector.extract %reduce_max3A_198[15] : i32 from vector<16xi32>
      %gt3A_200 = arith.constant 0 : i32
      %gt3A_201 = arith.cmpi sgt, %reduce_max3A_199, %gt3A_200 : i32
      %and3A_202 = arith.andi %eq3A_191, %gt3A_201 : i1
      %eq3A_203 = arith.constant 0 : i32
      %eq3A_204 = arith.cmpi eq, %min3A, %eq3A_203 : i32
      %or3A = arith.ori %and3A_202, %eq3A_204 : i1
      %convert_element_type3A = arith.extui %or3A : i1 to i32
      %cond3A = arith.constant 0 : i32
      %cond3A_205 = arith.cmpi ne, %convert_element_type3A, %cond3A : i32
      %cond3A_206:2 = scf.if %cond3A_205 -> (vector<16xi32>, vector<16xi32>) {
        %sub3A_236 = arith.constant 1 : i32
        %sub3A_237 = vector.broadcast %sub3A_236 : i32 to vector<16xi32>
        %sub3A_238 = arith.subi %shift_left3A_179, %sub3A_237 : vector<16xi32>
        %broadcast_in_dim3A_239 = arith.constant -1 : i32
        %broadcast_in_dim3A_240 = vector.broadcast %broadcast_in_dim3A_239 : i32 to vector<16xi32>
        scf.yield %sub3A_238, %broadcast_in_dim3A_240 : vector<16xi32>, vector<16xi32>
      } else {
        %scan3A_236 = arith.constant 0 : i32
        %scan3A_237 = arith.constant 64 : i32
        %scan3A_238 = arith.addi %scan3A_236, %scan3A_237 : i32
        %scan3A_239 = arith.constant 1 : i32
        %scan3A_240 = scf.for %scan3A_286 = %scan3A_236 to %scan3A_238 step %scan3A_239 iter_args(%scan3A_287 = %broadcast_in_dim3A_181) -> (vector<16xi32>)  : i32 {
          %mul3A_288 = arith.constant 4 : i32
          %mul3A_289 = arith.muli %scan3A_286, %mul3A_288 : i32
          %add3A_290 = arith.constant 0 : i32
          %add3A_291 = arith.addi %mul3A_289, %add3A_290 : i32
          %mul3A_292 = arith.constant 16 : i32
          %mul3A_293 = arith.muli %add3A_291, %mul3A_292 : i32
          %get3A_294 = arith.index_cast %mul3A_293 : i32 to index
          %get3A_295 = tpu.vector_load %arg6[%get3A_294] {strides = array<i32>} : memref<4096xi32, #tpu.memory_space<vmem>>, vector<16xi32>,
          %shift_right_arithmetic3A_296 = arith.constant 20 : i32
          %shift_right_arithmetic3A_297 = vector.broadcast %shift_right_arithmetic3A_296 : i32 to vector<16xi32>
          %shift_right_arithmetic3A_298 = arith.shrsi %get3A_295, %shift_right_arithmetic3A_297 : vector<16xi32>
          %add3A_299 = arith.constant 2048 : i32
          %add3A_300 = vector.broadcast %add3A_299 : i32 to vector<16xi32>
          %add3A_301 = arith.addi %shift_right_arithmetic3A_298, %add3A_300 : vector<16xi32>
          %eq3A_302 = arith.cmpi eq, %add3A_301, %max3A_161 : vector<16xi32>
          %convert_element_type3A_303 = arith.extui %eq3A_302 : vector<16xi1> to vector<16xi32>
          %broadcast_in_dim3A_304 = arith.constant true
          %broadcast_in_dim3A_305 = vector.broadcast %broadcast_in_dim3A_304 : i1 to vector<16xi1>
          %masked_cumsum3A_306 = tpu.scan <sum>, %convert_element_type3A_303 masked %broadcast_in_dim3A_305 : vector<16xi32>, vector<16xi1> -> vector<16xi32>
          %add3A_307 = arith.addi %scan3A_287, %masked_cumsum3A_306 : vector<16xi32>
          %sub3A_308 = arith.constant 1 : i32
          %sub3A_309 = vector.broadcast %sub3A_308 : i32 to vector<16xi32>
          %sub3A_310 = arith.subi %add3A_307, %sub3A_309 : vector<16xi32>
          tpu.vector_store_idx %arg8[%sub3A_310], %get3A_295 masked %eq3A_302 : memref<4128xi32, #tpu.memory_space<vmem>>[vector<16xi32>], vector<16xi32>, vector<16xi1>
          %mul3A_311 = arith.constant 16 : i32
          %mul3A_312 = arith.muli %add3A_291, %mul3A_311 : i32
          %add3A_313 = vector.broadcast %mul3A_312 : i32 to vector<16xi32>
          %add3A_314 = arith.addi %iota3A, %add3A_313 : vector<16xi32>
          tpu.vector_store_idx %arg9[%sub3A_310], %add3A_314 masked %eq3A_302 : memref<4128xi32, #tpu.memory_space<vmem>>[vector<16xi32>], vector<16xi32>, vector<16xi1>
          %all_reduce_population_count3A = tpu.all_reduce %eq3A_302 {dim = 0 : i64, kind = #tpu.reduction_kind<sum>} : vector<16xi1> -> vector<16xi32>
          %add3A_315 = arith.addi %scan3A_287, %all_reduce_population_count3A : vector<16xi32>
          %mul3A_316 = arith.constant 4 : i32
          %mul3A_317 = arith.muli %scan3A_286, %mul3A_316 : i32
          %add3A_318 = arith.constant 1 : i32
          %add3A_319 = arith.addi %mul3A_317, %add3A_318 : i32
          %mul3A_320 = arith.constant 16 : i32
          %mul3A_321 = arith.muli %add3A_319, %mul3A_320 : i32
          %get3A_322 = arith.index_cast %mul3A_321 : i32 to index
          %get3A_323 = tpu.vector_load %arg6[%get3A_322] {strides = array<i32>} : memref<4096xi32, #tpu.memory_space<vmem>>, vector<16xi32>,
          %shift_right_arithmetic3A_324 = arith.constant 20 : i32
          %shift_right_arithmetic3A_325 = vector.broadcast %shift_right_arithmetic3A_324 : i32 to vector<16xi32>
          %shift_right_arithmetic3A_326 = arith.shrsi %get3A_323, %shift_right_arithmetic3A_325 : vector<16xi32>
          %add3A_327 = arith.constant 2048 : i32
          %add3A_328 = vector.broadcast %add3A_327 : i32 to vector<16xi32>
          %add3A_329 = arith.addi %shift_right_arithmetic3A_326, %add3A_328 : vector<16xi32>
          %eq3A_330 = arith.cmpi eq, %add3A_329, %max3A_161 : vector<16xi32>
          %convert_element_type3A_331 = arith.extui %eq3A_330 : vector<16xi1> to vector<16xi32>
          %broadcast_in_dim3A_332 = arith.constant true
          %broadcast_in_dim3A_333 = vector.broadcast %broadcast_in_dim3A_332 : i1 to vector<16xi1>
          %masked_cumsum3A_334 = tpu.scan <sum>, %convert_element_type3A_331 masked %broadcast_in_dim3A_333 : vector<16xi32>, vector<16xi1> -> vector<16xi32>
          %add3A_335 = arith.addi %add3A_315, %masked_cumsum3A_334 : vector<16xi32>
          %sub3A_336 = arith.constant 1 : i32
          %sub3A_337 = vector.broadcast %sub3A_336 : i32 to vector<16xi32>
          %sub3A_338 = arith.subi %add3A_335, %sub3A_337 : vector<16xi32>
          tpu.vector_store_idx %arg8[%sub3A_338], %get3A_323 masked %eq3A_330 : memref<4128xi32, #tpu.memory_space<vmem>>[vector<16xi32>], vector<16xi32>, vector<16xi1>
          %mul3A_339 = arith.constant 16 : i32
          %mul3A_340 = arith.muli %add3A_319, %mul3A_339 : i32
          %add3A_341 = vector.broadcast %mul3A_340 : i32 to vector<16xi32>
          %add3A_342 = arith.addi %iota3A, %add3A_341 : vector<16xi32>
          tpu.vector_store_idx %arg9[%sub3A_338], %add3A_342 masked %eq3A_330 : memref<4128xi32, #tpu.memory_space<vmem>>[vector<16xi32>], vector<16xi32>, vector<16xi1>
          %all_reduce_population_count3A_343 = tpu.all_reduce %eq3A_330 {dim = 0 : i64, kind = #tpu.reduction_kind<sum>} : vector<16xi1> -> vector<16xi32>
          %add3A_344 = arith.addi %add3A_315, %all_reduce_population_count3A_343 : vector<16xi32>
          %mul3A_345 = arith.constant 4 : i32
          %mul3A_346 = arith.muli %scan3A_286, %mul3A_345 : i32
          %add3A_347 = arith.constant 2 : i32
          %add3A_348 = arith.addi %mul3A_346, %add3A_347 : i32
          %mul3A_349 = arith.constant 16 : i32
          %mul3A_350 = arith.muli %add3A_348, %mul3A_349 : i32
          %get3A_351 = arith.index_cast %mul3A_350 : i32 to index
          %get3A_352 = tpu.vector_load %arg6[%get3A_351] {strides = array<i32>} : memref<4096xi32, #tpu.memory_space<vmem>>, vector<16xi32>,
          %shift_right_arithmetic3A_353 = arith.constant 20 : i32
          %shift_right_arithmetic3A_354 = vector.broadcast %shift_right_arithmetic3A_353 : i32 to vector<16xi32>
          %shift_right_arithmetic3A_355 = arith.shrsi %get3A_352, %shift_right_arithmetic3A_354 : vector<16xi32>
          %add3A_356 = arith.constant 2048 : i32
          %add3A_357 = vector.broadcast %add3A_356 : i32 to vector<16xi32>
          %add3A_358 = arith.addi %shift_right_arithmetic3A_355, %add3A_357 : vector<16xi32>
          %eq3A_359 = arith.cmpi eq, %add3A_358, %max3A_161 : vector<16xi32>
          %convert_element_type3A_360 = arith.extui %eq3A_359 : vector<16xi1> to vector<16xi32>
          %broadcast_in_dim3A_361 = arith.constant true
          %broadcast_in_dim3A_362 = vector.broadcast %broadcast_in_dim3A_361 : i1 to vector<16xi1>
          %masked_cumsum3A_363 = tpu.scan <sum>, %convert_element_type3A_360 masked %broadcast_in_dim3A_362 : vector<16xi32>, vector<16xi1> -> vector<16xi32>
          %add3A_364 = arith.addi %add3A_344, %masked_cumsum3A_363 : vector<16xi32>
          %sub3A_365 = arith.constant 1 : i32
          %sub3A_366 = vector.broadcast %sub3A_365 : i32 to vector<16xi32>
          %sub3A_367 = arith.subi %add3A_364, %sub3A_366 : vector<16xi32>
          tpu.vector_store_idx %arg8[%sub3A_367], %get3A_352 masked %eq3A_359 : memref<4128xi32, #tpu.memory_space<vmem>>[vector<16xi32>], vector<16xi32>, vector<16xi1>
          %mul3A_368 = arith.constant 16 : i32
          %mul3A_369 = arith.muli %add3A_348, %mul3A_368 : i32
          %add3A_370 = vector.broadcast %mul3A_369 : i32 to vector<16xi32>
          %add3A_371 = arith.addi %iota3A, %add3A_370 : vector<16xi32>
          tpu.vector_store_idx %arg9[%sub3A_367], %add3A_371 masked %eq3A_359 : memref<4128xi32, #tpu.memory_space<vmem>>[vector<16xi32>], vector<16xi32>, vector<16xi1>
          %all_reduce_population_count3A_372 = tpu.all_reduce %eq3A_359 {dim = 0 : i64, kind = #tpu.reduction_kind<sum>} : vector<16xi1> -> vector<16xi32>
          %add3A_373 = arith.addi %add3A_344, %all_reduce_population_count3A_372 : vector<16xi32>
          %mul3A_374 = arith.constant 4 : i32
          %mul3A_375 = arith.muli %scan3A_286, %mul3A_374 : i32
          %add3A_376 = arith.constant 3 : i32
          %add3A_377 = arith.addi %mul3A_375, %add3A_376 : i32
          %mul3A_378 = arith.constant 16 : i32
          %mul3A_379 = arith.muli %add3A_377, %mul3A_378 : i32
          %get3A_380 = arith.index_cast %mul3A_379 : i32 to index
          %get3A_381 = tpu.vector_load %arg6[%get3A_380] {strides = array<i32>} : memref<4096xi32, #tpu.memory_space<vmem>>, vector<16xi32>,
          %shift_right_arithmetic3A_382 = arith.constant 20 : i32
          %shift_right_arithmetic3A_383 = vector.broadcast %shift_right_arithmetic3A_382 : i32 to vector<16xi32>
          %shift_right_arithmetic3A_384 = arith.shrsi %get3A_381, %shift_right_arithmetic3A_383 : vector<16xi32>
          %add3A_385 = arith.constant 2048 : i32
          %add3A_386 = vector.broadcast %add3A_385 : i32 to vector<16xi32>
          %add3A_387 = arith.addi %shift_right_arithmetic3A_384, %add3A_386 : vector<16xi32>
          %eq3A_388 = arith.cmpi eq, %add3A_387, %max3A_161 : vector<16xi32>
          %convert_element_type3A_389 = arith.extui %eq3A_388 : vector<16xi1> to vector<16xi32>
          %broadcast_in_dim3A_390 = arith.constant true
          %broadcast_in_dim3A_391 = vector.broadcast %broadcast_in_dim3A_390 : i1 to vector<16xi1>
          %masked_cumsum3A_392 = tpu.scan <sum>, %convert_element_type3A_389 masked %broadcast_in_dim3A_391 : vector<16xi32>, vector<16xi1> -> vector<16xi32>
          %add3A_393 = arith.addi %add3A_373, %masked_cumsum3A_392 : vector<16xi32>
          %sub3A_394 = arith.constant 1 : i32
          %sub3A_395 = vector.broadcast %sub3A_394 : i32 to vector<16xi32>
          %sub3A_396 = arith.subi %add3A_393, %sub3A_395 : vector<16xi32>
          tpu.vector_store_idx %arg8[%sub3A_396], %get3A_381 masked %eq3A_388 : memref<4128xi32, #tpu.memory_space<vmem>>[vector<16xi32>], vector<16xi32>, vector<16xi1>
          %mul3A_397 = arith.constant 16 : i32
          %mul3A_398 = arith.muli %add3A_377, %mul3A_397 : i32
          %add3A_399 = vector.broadcast %mul3A_398 : i32 to vector<16xi32>
          %add3A_400 = arith.addi %iota3A, %add3A_399 : vector<16xi32>
          tpu.vector_store_idx %arg9[%sub3A_396], %add3A_400 masked %eq3A_388 : memref<4128xi32, #tpu.memory_space<vmem>>[vector<16xi32>], vector<16xi32>, vector<16xi1>
          %all_reduce_population_count3A_401 = tpu.all_reduce %eq3A_388 {dim = 0 : i64, kind = #tpu.reduction_kind<sum>} : vector<16xi1> -> vector<16xi32>
          %add3A_402 = arith.addi %add3A_373, %all_reduce_population_count3A_401 : vector<16xi32>
          scf.yield %add3A_402 : vector<16xi32>
        }
        %scan3A_241 = arith.constant 64 : i32
        %add3A_242 = arith.addi %scan3A_240, %iota3A : vector<16xi32>
        %broadcast_in_dim3A_243 = arith.constant -2147483648 : i32
        %broadcast_in_dim3A_244 = vector.broadcast %broadcast_in_dim3A_243 : i32 to vector<16xi32>
        tpu.vector_store_idx %arg8[%add3A_242], %broadcast_in_dim3A_244 : memref<4128xi32, #tpu.memory_space<vmem>>[vector<16xi32>], vector<16xi32>,
        %reduce_max3A_245 = arith.constant true
        %reduce_max3A_246 = vector.broadcast %reduce_max3A_245 : i1 to vector<16xi1>
        %reduce_max3A_247 = arith.constant -2147483648 : i32
        %reduce_max3A_248 = vector.broadcast %reduce_max3A_247 : i32 to vector<16xi32>
        %reduce_max3A_249 = arith.xori %scan3A_240, %reduce_max3A_248 : vector<16xi32>
        %reduce_max3A_250 = tpu.scan <max>, %reduce_max3A_249 masked %reduce_max3A_246 : vector<16xi32>, vector<16xi1> -> vector<16xi32>
        %reduce_max3A_251 = arith.xori %reduce_max3A_250, %reduce_max3A_248 : vector<16xi32>
        %reduce_max3A_252 = vector.extract %reduce_max3A_251[15] : i32 from vector<16xi32>
        %add3A_253 = arith.constant 16 : i32
        %add3A_254 = arith.addi %reduce_max3A_252, %add3A_253 : i32
        %sub3A_255 = arith.constant 1 : i32
        %sub3A_256 = arith.subi %add3A_254, %sub3A_255 : i32
        %jit3A_257 = arith.constant 16 : i32
        %div3A_258 = arith.divsi %sub3A_256, %jit3A_257 : i32
        %sign3A_259 = arith.constant 0 : i32
        %sign3A_260 = arith.cmpi sgt, %sub3A_256, %sign3A_259 : i32
        %sign3A_261 = arith.extui %sign3A_260 : i1 to i32
        %sign3A_262 = arith.constant 0 : i32
        %sign3A_263 = arith.cmpi slt, %sub3A_256, %sign3A_262 : i32
        %sign3A_264 = arith.extui %sign3A_263 : i1 to i32
        %sign3A_265 = arith.subi %sign3A_261, %sign3A_264 : i32
        %sign3A_266 = arith.constant 0 : i32
        %sign3A_267 = arith.cmpi sgt, %jit3A_257, %sign3A_266 : i32
        %sign3A_268 = arith.extui %sign3A_267 : i1 to i32
        %sign3A_269 = arith.constant 0 : i32
        %sign3A_270 = arith.cmpi slt, %jit3A_257, %sign3A_269 : i32
        %sign3A_271 = arith.extui %sign3A_270 : i1 to i32
        %sign3A_272 = arith.subi %sign3A_268, %sign3A_271 : i32
        %ne3A_273 = arith.cmpi ne, %sign3A_265, %sign3A_272 : i32
        %rem3A_274 = arith.remsi %sub3A_256, %jit3A_257 : i32
        %ne3A_275 = arith.constant 0 : i32
        %ne3A_276 = arith.cmpi ne, %rem3A_274, %ne3A_275 : i32
        %and3A_277 = arith.andi %ne3A_273, %ne3A_276 : i1
        %sub3A_278 = arith.constant 1 : i32
        %sub3A_279 = arith.subi %div3A_258, %sub3A_278 : i32
        %select_n3A_280 = arith.select %and3A_277, %sub3A_279, %div3A_258 : i32
        %le3A = arith.constant 16 : i32
        %le3A_281 = arith.cmpi sle, %reduce_max3A_252, %le3A : i32
        %convert_element_type3A_282 = arith.extui %le3A_281 : i1 to i32
        %cond3A_283 = arith.constant 0 : i32
        %cond3A_284 = arith.cmpi ne, %convert_element_type3A_282, %cond3A_283 : i32
        %cond3A_285:2 = scf.if %cond3A_284 -> (vector<16xi32>, vector<16xi32>) {
          %get3A_286 = arith.constant 0 : index
          %get3A_287 = tpu.vector_load %arg8[%get3A_286] {strides = array<i32>} : memref<4128xi32, #tpu.memory_space<vmem>>, vector<16xi32>,
          %get3A_288 = arith.constant 0 : index
          %get3A_289 = tpu.vector_load %arg9[%get3A_288] {strides = array<i32>} : memref<4128xi32, #tpu.memory_space<vmem>>, vector<16xi32>,
          %scan3A_290 = arith.constant 0 : i32
          %scan3A_291 = arith.constant 20 : i32
          %scan3A_292 = arith.addi %scan3A_290, %scan3A_291 : i32
          %scan3A_293 = arith.constant 1 : i32
          %scan3A_294 = scf.for %scan3A_309 = %scan3A_290 to %scan3A_292 step %scan3A_293 iter_args(%scan3A_310 = %broadcast_in_dim3A_181) -> (vector<16xi32>)  : i32 {
            %sub3A_311 = arith.constant 19 : i32
            %sub3A_312 = arith.subi %sub3A_311, %scan3A_309 : i32
            %shift_left3A_313 = arith.constant 1 : i32
            %shift_left3A_314 = arith.shli %shift_left3A_313, %sub3A_312 : i32
            %or3A_315 = arith.ori %shift_left3A_179, %scan3A_310 : vector<16xi32>
            %or3A_316 = vector.broadcast %shift_left3A_314 : i32 to vector<16xi32>
            %or3A_317 = arith.ori %or3A_315, %or3A_316 : vector<16xi32>
            %ge3A_318 = arith.cmpi sge, %get3A_287, %or3A_317 : vector<16xi32>
            %all_reduce_population_count3A_319 = tpu.all_reduce %ge3A_318 {dim = 0 : i64, kind = #tpu.reduction_kind<sum>} : vector<16xi1> -> vector<16xi32>
            %ge3A_320 = vector.broadcast %sub3A_174 : i32 to vector<16xi32>
            %ge3A_321 = arith.cmpi sge, %all_reduce_population_count3A_319, %ge3A_320 : vector<16xi32>
            %or3A_322 = vector.broadcast %shift_left3A_314 : i32 to vector<16xi32>
            %or3A_323 = arith.ori %scan3A_310, %or3A_322 : vector<16xi32>
            %select_n3A_324 = arith.select %ge3A_321, %or3A_323, %scan3A_310 : vector<16xi1>, vector<16xi32>
            scf.yield %select_n3A_324 : vector<16xi32>
          }
          %scan3A_295 = arith.constant 20 : i32
          %or3A_296 = arith.ori %shift_left3A_179, %scan3A_294 : vector<16xi32>
          %add3A_297 = arith.constant 1 : i32
          %add3A_298 = vector.broadcast %add3A_297 : i32 to vector<16xi32>
          %add3A_299 = arith.addi %or3A_296, %add3A_298 : vector<16xi32>
          %ge3A_300 = arith.cmpi sge, %get3A_287, %add3A_299 : vector<16xi32>
          %all_reduce_population_count3A = tpu.all_reduce %ge3A_300 {dim = 0 : i64, kind = #tpu.reduction_kind<sum>} : vector<16xi1> -> vector<16xi32>
          %sub3A_301 = vector.broadcast %sub3A_174 : i32 to vector<16xi32>
          %sub3A_302 = arith.subi %sub3A_301, %all_reduce_population_count3A : vector<16xi32>
          %scan3A_303 = arith.constant 0 : i32
          %scan3A_304 = arith.constant 12 : i32
          %scan3A_305 = arith.addi %scan3A_303, %scan3A_304 : i32
          %scan3A_306 = arith.constant 1 : i32
          %scan3A_307 = scf.for %scan3A_309 = %scan3A_303 to %scan3A_305 step %scan3A_306 iter_args(%scan3A_310 = %broadcast_in_dim3A_181) -> (vector<16xi32>)  : i32 {
            %sub3A_311 = arith.constant 11 : i32
            %sub3A_312 = arith.subi %sub3A_311, %scan3A_309 : i32
            %shift_left3A_313 = arith.constant 1 : i32
            %shift_left3A_314 = arith.shli %shift_left3A_313, %sub3A_312 : i32
            %add3A_315 = vector.broadcast %shift_left3A_314 : i32 to vector<16xi32>
            %add3A_316 = arith.addi %scan3A_310, %add3A_315 : vector<16xi32>
            %sub3A_317 = arith.constant 1 : i32
            %sub3A_318 = vector.broadcast %sub3A_317 : i32 to vector<16xi32>
            %sub3A_319 = arith.subi %add3A_316, %sub3A_318 : vector<16xi32>
            %eq3A_320 = arith.cmpi eq, %get3A_287, %or3A_296 : vector<16xi32>
            %le3A_321 = arith.cmpi sle, %get3A_289, %sub3A_319 : vector<16xi32>
            %and3A_322 = arith.andi %eq3A_320, %le3A_321 : vector<16xi1>
            %all_reduce_population_count3A_323 = tpu.all_reduce %and3A_322 {dim = 0 : i64, kind = #tpu.reduction_kind<sum>} : vector<16xi1> -> vector<16xi32>
            %ge3A_324 = arith.cmpi sge, %all_reduce_population_count3A_323, %sub3A_302 : vector<16xi32>
            %add3A_325 = vector.broadcast %shift_left3A_314 : i32 to vector<16xi32>
            %add3A_326 = arith.addi %scan3A_310, %add3A_325 : vector<16xi32>
            %select_n3A_327 = arith.select %ge3A_324, %scan3A_310, %add3A_326 : vector<16xi1>, vector<16xi32>
            scf.yield %select_n3A_327 : vector<16xi32>
          }
          %scan3A_308 = arith.constant 12 : i32
          scf.yield %or3A_296, %scan3A_307 : vector<16xi32>, vector<16xi32>
        } else {
          %scan3A_286 = arith.constant 0 : i32
          %scan3A_287 = arith.constant 20 : i32
          %scan3A_288 = arith.addi %scan3A_286, %scan3A_287 : i32
          %scan3A_289 = arith.constant 1 : i32
          %scan3A_290 = scf.for %scan3A_312 = %scan3A_286 to %scan3A_288 step %scan3A_289 iter_args(%scan3A_313 = %broadcast_in_dim3A_181) -> (vector<16xi32>)  : i32 {
            %sub3A_314 = arith.constant 19 : i32
            %sub3A_315 = arith.subi %sub3A_314, %scan3A_312 : i32
            %shift_left3A_316 = arith.constant 1 : i32
            %shift_left3A_317 = arith.shli %shift_left3A_316, %sub3A_315 : i32
            %or3A_318 = arith.ori %shift_left3A_179, %scan3A_313 : vector<16xi32>
            %or3A_319 = vector.broadcast %shift_left3A_317 : i32 to vector<16xi32>
            %or3A_320 = arith.ori %or3A_318, %or3A_319 : vector<16xi32>
            %while3A_321 = arith.constant 0 : i32
            %while3A_322 = arith.subi %select_n3A_280, %while3A_321 : i32
            %while3A_323 = arith.addi %while3A_321, %while3A_322 : i32
            %while3A_324 = arith.constant 1 : i32
            %while3A_325 = arith.divsi %while3A_322, %while3A_324 : i32
            %while3A_326 = arith.muli %while3A_325, %while3A_324 : i32
            %while3A_327 = arith.addi %while3A_321, %while3A_326 : i32
            %while3A_328 = arith.constant 1 : i32
            %while3A_329 = scf.for %while3A_337 = %while3A_321 to %while3A_327 step %while3A_328 iter_args(%while3A_338 = %broadcast_in_dim3A_181) -> (vector<16xi32>)  : i32 {
              %mul3A_339 = arith.constant 16 : i32
              %mul3A_340 = arith.muli %while3A_337, %mul3A_339 : i32
              %get3A_341 = arith.index_cast %mul3A_340 : i32 to index
              %get3A_342 = tpu.vector_load %arg8[%get3A_341] {strides = array<i32>} : memref<4128xi32, #tpu.memory_space<vmem>>, vector<16xi32>,
              %mul3A_343 = arith.constant 16 : i32
              %mul3A_344 = arith.muli %while3A_337, %mul3A_343 : i32
              %get3A_345 = arith.index_cast %mul3A_344 : i32 to index
              %get3A_346 = tpu.vector_load %arg9[%get3A_345] {strides = array<i32>} : memref<4128xi32, #tpu.memory_space<vmem>>, vector<16xi32>,
              %ge3A_347 = arith.cmpi sge, %get3A_342, %or3A_320 : vector<16xi32>
              %all_reduce_population_count3A = tpu.all_reduce %ge3A_347 {dim = 0 : i64, kind = #tpu.reduction_kind<sum>} : vector<16xi1> -> vector<16xi32>
              %add3A_348 = arith.addi %while3A_338, %all_reduce_population_count3A : vector<16xi32>
              scf.yield %add3A_348 : vector<16xi32>
            }
            %while3A_330 = arith.constant 1 : i32
            %while3A_331 = scf.for %while3A_337 = %while3A_327 to %while3A_323 step %while3A_330 iter_args(%while3A_338 = %while3A_329) -> (vector<16xi32>)  : i32 {
              %mul3A_339 = arith.constant 16 : i32
              %mul3A_340 = arith.muli %while3A_337, %mul3A_339 : i32
              %get3A_341 = arith.index_cast %mul3A_340 : i32 to index
              %get3A_342 = tpu.vector_load %arg8[%get3A_341] {strides = array<i32>} : memref<4128xi32, #tpu.memory_space<vmem>>, vector<16xi32>,
              %mul3A_343 = arith.constant 16 : i32
              %mul3A_344 = arith.muli %while3A_337, %mul3A_343 : i32
              %get3A_345 = arith.index_cast %mul3A_344 : i32 to index
              %get3A_346 = tpu.vector_load %arg9[%get3A_345] {strides = array<i32>} : memref<4128xi32, #tpu.memory_space<vmem>>, vector<16xi32>,
              %ge3A_347 = arith.cmpi sge, %get3A_342, %or3A_320 : vector<16xi32>
              %all_reduce_population_count3A = tpu.all_reduce %ge3A_347 {dim = 0 : i64, kind = #tpu.reduction_kind<sum>} : vector<16xi1> -> vector<16xi32>
              %add3A_348 = arith.addi %while3A_338, %all_reduce_population_count3A : vector<16xi32>
              scf.yield %add3A_348 : vector<16xi32>
            }
            %ge3A_332 = vector.broadcast %sub3A_174 : i32 to vector<16xi32>
            %ge3A_333 = arith.cmpi sge, %while3A_331, %ge3A_332 : vector<16xi32>
            %or3A_334 = vector.broadcast %shift_left3A_317 : i32 to vector<16xi32>
            %or3A_335 = arith.ori %scan3A_313, %or3A_334 : vector<16xi32>
            %select_n3A_336 = arith.select %ge3A_333, %or3A_335, %scan3A_313 : vector<16xi1>, vector<16xi32>
            scf.yield %select_n3A_336 : vector<16xi32>
          }
          %scan3A_291 = arith.constant 20 : i32
          %or3A_292 = arith.ori %shift_left3A_179, %scan3A_290 : vector<16xi32>
          %while3A_293 = arith.constant 0 : i32
          %while3A_294 = arith.subi %select_n3A_280, %while3A_293 : i32
          %while3A_295 = arith.addi %while3A_293, %while3A_294 : i32
          %while3A_296 = arith.constant 1 : i32
          %while3A_297 = arith.divsi %while3A_294, %while3A_296 : i32
          %while3A_298 = arith.muli %while3A_297, %while3A_296 : i32
          %while3A_299 = arith.addi %while3A_293, %while3A_298 : i32
          %while3A_300 = arith.constant 1 : i32
          %while3A_301 = scf.for %while3A_312 = %while3A_293 to %while3A_299 step %while3A_300 iter_args(%while3A_313 = %broadcast_in_dim3A_181) -> (vector<16xi32>)  : i32 {
            %mul3A_314 = arith.constant 16 : i32
            %mul3A_315 = arith.muli %while3A_312, %mul3A_314 : i32
            %get3A_316 = arith.index_cast %mul3A_315 : i32 to index
            %get3A_317 = tpu.vector_load %arg8[%get3A_316] {strides = array<i32>} : memref<4128xi32, #tpu.memory_space<vmem>>, vector<16xi32>,
            %mul3A_318 = arith.constant 16 : i32
            %mul3A_319 = arith.muli %while3A_312, %mul3A_318 : i32
            %get3A_320 = arith.index_cast %mul3A_319 : i32 to index
            %get3A_321 = tpu.vector_load %arg9[%get3A_320] {strides = array<i32>} : memref<4128xi32, #tpu.memory_space<vmem>>, vector<16xi32>,
            %add3A_322 = arith.constant 1 : i32
            %add3A_323 = vector.broadcast %add3A_322 : i32 to vector<16xi32>
            %add3A_324 = arith.addi %or3A_292, %add3A_323 : vector<16xi32>
            %ge3A_325 = arith.cmpi sge, %get3A_317, %add3A_324 : vector<16xi32>
            %all_reduce_population_count3A = tpu.all_reduce %ge3A_325 {dim = 0 : i64, kind = #tpu.reduction_kind<sum>} : vector<16xi1> -> vector<16xi32>
            %add3A_326 = arith.addi %while3A_313, %all_reduce_population_count3A : vector<16xi32>
            scf.yield %add3A_326 : vector<16xi32>
          }
          %while3A_302 = arith.constant 1 : i32
          %while3A_303 = scf.for %while3A_312 = %while3A_299 to %while3A_295 step %while3A_302 iter_args(%while3A_313 = %while3A_301) -> (vector<16xi32>)  : i32 {
            %mul3A_314 = arith.constant 16 : i32
            %mul3A_315 = arith.muli %while3A_312, %mul3A_314 : i32
            %get3A_316 = arith.index_cast %mul3A_315 : i32 to index
            %get3A_317 = tpu.vector_load %arg8[%get3A_316] {strides = array<i32>} : memref<4128xi32, #tpu.memory_space<vmem>>, vector<16xi32>,
            %mul3A_318 = arith.constant 16 : i32
            %mul3A_319 = arith.muli %while3A_312, %mul3A_318 : i32
            %get3A_320 = arith.index_cast %mul3A_319 : i32 to index
            %get3A_321 = tpu.vector_load %arg9[%get3A_320] {strides = array<i32>} : memref<4128xi32, #tpu.memory_space<vmem>>, vector<16xi32>,
            %add3A_322 = arith.constant 1 : i32
            %add3A_323 = vector.broadcast %add3A_322 : i32 to vector<16xi32>
            %add3A_324 = arith.addi %or3A_292, %add3A_323 : vector<16xi32>
            %ge3A_325 = arith.cmpi sge, %get3A_317, %add3A_324 : vector<16xi32>
            %all_reduce_population_count3A = tpu.all_reduce %ge3A_325 {dim = 0 : i64, kind = #tpu.reduction_kind<sum>} : vector<16xi1> -> vector<16xi32>
            %add3A_326 = arith.addi %while3A_313, %all_reduce_population_count3A : vector<16xi32>
            scf.yield %add3A_326 : vector<16xi32>
          }
          %sub3A_304 = vector.broadcast %sub3A_174 : i32 to vector<16xi32>
          %sub3A_305 = arith.subi %sub3A_304, %while3A_303 : vector<16xi32>
          %scan3A_306 = arith.constant 0 : i32
          %scan3A_307 = arith.constant 12 : i32
          %scan3A_308 = arith.addi %scan3A_306, %scan3A_307 : i32
          %scan3A_309 = arith.constant 1 : i32
          %scan3A_310 = scf.for %scan3A_312 = %scan3A_306 to %scan3A_308 step %scan3A_309 iter_args(%scan3A_313 = %broadcast_in_dim3A_181) -> (vector<16xi32>)  : i32 {
            %sub3A_314 = arith.constant 11 : i32
            %sub3A_315 = arith.subi %sub3A_314, %scan3A_312 : i32
            %shift_left3A_316 = arith.constant 1 : i32
            %shift_left3A_317 = arith.shli %shift_left3A_316, %sub3A_315 : i32
            %add3A_318 = vector.broadcast %shift_left3A_317 : i32 to vector<16xi32>
            %add3A_319 = arith.addi %scan3A_313, %add3A_318 : vector<16xi32>
            %sub3A_320 = arith.constant 1 : i32
            %sub3A_321 = vector.broadcast %sub3A_320 : i32 to vector<16xi32>
            %sub3A_322 = arith.subi %add3A_319, %sub3A_321 : vector<16xi32>
            %while3A_323 = arith.constant 0 : i32
            %while3A_324 = arith.subi %select_n3A_280, %while3A_323 : i32
            %while3A_325 = arith.addi %while3A_323, %while3A_324 : i32
            %while3A_326 = arith.constant 1 : i32
            %while3A_327 = arith.divsi %while3A_324, %while3A_326 : i32
            %while3A_328 = arith.muli %while3A_327, %while3A_326 : i32
            %while3A_329 = arith.addi %while3A_323, %while3A_328 : i32
            %while3A_330 = arith.constant 1 : i32
            %while3A_331 = scf.for %while3A_338 = %while3A_323 to %while3A_329 step %while3A_330 iter_args(%while3A_339 = %broadcast_in_dim3A_181) -> (vector<16xi32>)  : i32 {
              %mul3A_340 = arith.constant 16 : i32
              %mul3A_341 = arith.muli %while3A_338, %mul3A_340 : i32
              %get3A_342 = arith.index_cast %mul3A_341 : i32 to index
              %get3A_343 = tpu.vector_load %arg8[%get3A_342] {strides = array<i32>} : memref<4128xi32, #tpu.memory_space<vmem>>, vector<16xi32>,
              %mul3A_344 = arith.constant 16 : i32
              %mul3A_345 = arith.muli %while3A_338, %mul3A_344 : i32
              %get3A_346 = arith.index_cast %mul3A_345 : i32 to index
              %get3A_347 = tpu.vector_load %arg9[%get3A_346] {strides = array<i32>} : memref<4128xi32, #tpu.memory_space<vmem>>, vector<16xi32>,
              %eq3A_348 = arith.cmpi eq, %get3A_343, %or3A_292 : vector<16xi32>
              %le3A_349 = arith.cmpi sle, %get3A_347, %sub3A_322 : vector<16xi32>
              %and3A_350 = arith.andi %eq3A_348, %le3A_349 : vector<16xi1>
              %all_reduce_population_count3A = tpu.all_reduce %and3A_350 {dim = 0 : i64, kind = #tpu.reduction_kind<sum>} : vector<16xi1> -> vector<16xi32>
              %add3A_351 = arith.addi %while3A_339, %all_reduce_population_count3A : vector<16xi32>
              scf.yield %add3A_351 : vector<16xi32>
            }
            %while3A_332 = arith.constant 1 : i32
            %while3A_333 = scf.for %while3A_338 = %while3A_329 to %while3A_325 step %while3A_332 iter_args(%while3A_339 = %while3A_331) -> (vector<16xi32>)  : i32 {
              %mul3A_340 = arith.constant 16 : i32
              %mul3A_341 = arith.muli %while3A_338, %mul3A_340 : i32
              %get3A_342 = arith.index_cast %mul3A_341 : i32 to index
              %get3A_343 = tpu.vector_load %arg8[%get3A_342] {strides = array<i32>} : memref<4128xi32, #tpu.memory_space<vmem>>, vector<16xi32>,
              %mul3A_344 = arith.constant 16 : i32
              %mul3A_345 = arith.muli %while3A_338, %mul3A_344 : i32
              %get3A_346 = arith.index_cast %mul3A_345 : i32 to index
              %get3A_347 = tpu.vector_load %arg9[%get3A_346] {strides = array<i32>} : memref<4128xi32, #tpu.memory_space<vmem>>, vector<16xi32>,
              %eq3A_348 = arith.cmpi eq, %get3A_343, %or3A_292 : vector<16xi32>
              %le3A_349 = arith.cmpi sle, %get3A_347, %sub3A_322 : vector<16xi32>
              %and3A_350 = arith.andi %eq3A_348, %le3A_349 : vector<16xi1>
              %all_reduce_population_count3A = tpu.all_reduce %and3A_350 {dim = 0 : i64, kind = #tpu.reduction_kind<sum>} : vector<16xi1> -> vector<16xi32>
              %add3A_351 = arith.addi %while3A_339, %all_reduce_population_count3A : vector<16xi32>
              scf.yield %add3A_351 : vector<16xi32>
            }
            %ge3A_334 = arith.cmpi sge, %while3A_333, %sub3A_305 : vector<16xi32>
            %add3A_335 = vector.broadcast %shift_left3A_317 : i32 to vector<16xi32>
            %add3A_336 = arith.addi %scan3A_313, %add3A_335 : vector<16xi32>
            %select_n3A_337 = arith.select %ge3A_334, %scan3A_313, %add3A_336 : vector<16xi1>, vector<16xi32>
            scf.yield %select_n3A_337 : vector<16xi32>
          }
          %scan3A_311 = arith.constant 12 : i32
          scf.yield %or3A_292, %scan3A_310 : vector<16xi32>, vector<16xi32>
        }
        scf.yield %cond3A_285#0, %cond3A_285#1 : vector<16xi32>, vector<16xi32>
      }
      %scan3A_207 = arith.constant 0 : i32
      %scan3A_208 = arith.constant 0 : i32
      %scan3A_209 = arith.constant 32 : i32
      %scan3A_210 = arith.addi %scan3A_208, %scan3A_209 : i32
      %scan3A_211 = arith.constant 1 : i32
      %scan3A_212 = scf.for %scan3A_236 = %scan3A_208 to %scan3A_210 step %scan3A_211 iter_args(%scan3A_237 = %scan3A_207) -> (i32)  : i32 {
        %mul3A_238 = arith.constant 8 : i32
        %mul3A_239 = arith.muli %scan3A_236, %mul3A_238 : i32
        %add3A_240 = arith.constant 0 : i32
        %add3A_241 = arith.addi %mul3A_239, %add3A_240 : i32
        %mul3A_242 = arith.constant 16 : i32
        %mul3A_243 = arith.muli %add3A_241, %mul3A_242 : i32
        %swap3A_244 = arith.index_cast %mul3A_243 : i32 to index
        %swap3A_245 = tpu.vector_load %arg7[%swap3A_244] {strides = array<i32>} : memref<4096xi32, #tpu.memory_space<vmem>>, vector<16xi32>,
        tpu.vector_store %arg7[%swap3A_244], %broadcast_in_dim3A_181 {strides = array<i32>} : memref<4096xi32, #tpu.memory_space<vmem>>, vector<16xi32>,
        %mul3A_246 = arith.constant 8 : i32
        %mul3A_247 = arith.muli %scan3A_236, %mul3A_246 : i32
        %add3A_248 = arith.constant 1 : i32
        %add3A_249 = arith.addi %mul3A_247, %add3A_248 : i32
        %mul3A_250 = arith.constant 16 : i32
        %mul3A_251 = arith.muli %add3A_249, %mul3A_250 : i32
        %swap3A_252 = arith.index_cast %mul3A_251 : i32 to index
        %swap3A_253 = tpu.vector_load %arg7[%swap3A_252] {strides = array<i32>} : memref<4096xi32, #tpu.memory_space<vmem>>, vector<16xi32>,
        tpu.vector_store %arg7[%swap3A_252], %broadcast_in_dim3A_181 {strides = array<i32>} : memref<4096xi32, #tpu.memory_space<vmem>>, vector<16xi32>,
        %mul3A_254 = arith.constant 8 : i32
        %mul3A_255 = arith.muli %scan3A_236, %mul3A_254 : i32
        %add3A_256 = arith.constant 2 : i32
        %add3A_257 = arith.addi %mul3A_255, %add3A_256 : i32
        %mul3A_258 = arith.constant 16 : i32
        %mul3A_259 = arith.muli %add3A_257, %mul3A_258 : i32
        %swap3A_260 = arith.index_cast %mul3A_259 : i32 to index
        %swap3A_261 = tpu.vector_load %arg7[%swap3A_260] {strides = array<i32>} : memref<4096xi32, #tpu.memory_space<vmem>>, vector<16xi32>,
        tpu.vector_store %arg7[%swap3A_260], %broadcast_in_dim3A_181 {strides = array<i32>} : memref<4096xi32, #tpu.memory_space<vmem>>, vector<16xi32>,
        %mul3A_262 = arith.constant 8 : i32
        %mul3A_263 = arith.muli %scan3A_236, %mul3A_262 : i32
        %add3A_264 = arith.constant 3 : i32
        %add3A_265 = arith.addi %mul3A_263, %add3A_264 : i32
        %mul3A_266 = arith.constant 16 : i32
        %mul3A_267 = arith.muli %add3A_265, %mul3A_266 : i32
        %swap3A_268 = arith.index_cast %mul3A_267 : i32 to index
        %swap3A_269 = tpu.vector_load %arg7[%swap3A_268] {strides = array<i32>} : memref<4096xi32, #tpu.memory_space<vmem>>, vector<16xi32>,
        tpu.vector_store %arg7[%swap3A_268], %broadcast_in_dim3A_181 {strides = array<i32>} : memref<4096xi32, #tpu.memory_space<vmem>>, vector<16xi32>,
        %mul3A_270 = arith.constant 8 : i32
        %mul3A_271 = arith.muli %scan3A_236, %mul3A_270 : i32
        %add3A_272 = arith.constant 4 : i32
        %add3A_273 = arith.addi %mul3A_271, %add3A_272 : i32
        %mul3A_274 = arith.constant 16 : i32
        %mul3A_275 = arith.muli %add3A_273, %mul3A_274 : i32
        %swap3A_276 = arith.index_cast %mul3A_275 : i32 to index
        %swap3A_277 = tpu.vector_load %arg7[%swap3A_276] {strides = array<i32>} : memref<4096xi32, #tpu.memory_space<vmem>>, vector<16xi32>,
        tpu.vector_store %arg7[%swap3A_276], %broadcast_in_dim3A_181 {strides = array<i32>} : memref<4096xi32, #tpu.memory_space<vmem>>, vector<16xi32>,
        %mul3A_278 = arith.constant 8 : i32
        %mul3A_279 = arith.muli %scan3A_236, %mul3A_278 : i32
        %add3A_280 = arith.constant 5 : i32
        %add3A_281 = arith.addi %mul3A_279, %add3A_280 : i32
        %mul3A_282 = arith.constant 16 : i32
        %mul3A_283 = arith.muli %add3A_281, %mul3A_282 : i32
        %swap3A_284 = arith.index_cast %mul3A_283 : i32 to index
        %swap3A_285 = tpu.vector_load %arg7[%swap3A_284] {strides = array<i32>} : memref<4096xi32, #tpu.memory_space<vmem>>, vector<16xi32>,
        tpu.vector_store %arg7[%swap3A_284], %broadcast_in_dim3A_181 {strides = array<i32>} : memref<4096xi32, #tpu.memory_space<vmem>>, vector<16xi32>,
        %mul3A_286 = arith.constant 8 : i32
        %mul3A_287 = arith.muli %scan3A_236, %mul3A_286 : i32
        %add3A_288 = arith.constant 6 : i32
        %add3A_289 = arith.addi %mul3A_287, %add3A_288 : i32
        %mul3A_290 = arith.constant 16 : i32
        %mul3A_291 = arith.muli %add3A_289, %mul3A_290 : i32
        %swap3A_292 = arith.index_cast %mul3A_291 : i32 to index
        %swap3A_293 = tpu.vector_load %arg7[%swap3A_292] {strides = array<i32>} : memref<4096xi32, #tpu.memory_space<vmem>>, vector<16xi32>,
        tpu.vector_store %arg7[%swap3A_292], %broadcast_in_dim3A_181 {strides = array<i32>} : memref<4096xi32, #tpu.memory_space<vmem>>, vector<16xi32>,
        %mul3A_294 = arith.constant 8 : i32
        %mul3A_295 = arith.muli %scan3A_236, %mul3A_294 : i32
        %add3A_296 = arith.constant 7 : i32
        %add3A_297 = arith.addi %mul3A_295, %add3A_296 : i32
        %mul3A_298 = arith.constant 16 : i32
        %mul3A_299 = arith.muli %add3A_297, %mul3A_298 : i32
        %swap3A_300 = arith.index_cast %mul3A_299 : i32 to index
        %swap3A_301 = tpu.vector_load %arg7[%swap3A_300] {strides = array<i32>} : memref<4096xi32, #tpu.memory_space<vmem>>, vector<16xi32>,
        tpu.vector_store %arg7[%swap3A_300], %broadcast_in_dim3A_181 {strides = array<i32>} : memref<4096xi32, #tpu.memory_space<vmem>>, vector<16xi32>,
        %scan3A_302 = arith.constant 0 : i32
        scf.yield %scan3A_302 : i32
      }
      %scan3A_213 = arith.constant 32 : i32
      %gt3A_214 = arith.constant 0 : i32
      %gt3A_215 = arith.cmpi sgt, %min3A, %gt3A_214 : i32
      %jit3A_216 = arith.constant 2147483647 : i32
      %broadcast_in_dim3A_217 = vector.broadcast %jit3A_216 : i32 to vector<16xi32>
      %select_n3A_218 = arith.select %gt3A_215, %cond3A_206#0, %broadcast_in_dim3A_217 : vector<16xi32>
      %gt3A_219 = arith.constant 0 : i32
      %gt3A_220 = arith.cmpi sgt, %min3A, %gt3A_219 : i32
      %jit3A_221 = arith.constant -1 : i32
      %broadcast_in_dim3A_222 = vector.broadcast %jit3A_221 : i32 to vector<16xi32>
      %select_n3A_223 = arith.select %gt3A_220, %cond3A_206#1, %broadcast_in_dim3A_222 : vector<16xi32>
      %mul3A_224 = arith.constant 2 : i32
      %mul3A_225 = arith.muli %mul3A_224, %scan3A_35 : i32
      %eq3A_226 = vector.broadcast %mul3A_225 : i32 to vector<16xi32>
      %eq3A_227 = arith.cmpi eq, %iota3A, %eq3A_226 : vector<16xi32>
      %select_n3A_228 = arith.select %eq3A_227, %select_n3A_218, %scan3A_36 : vector<16xi1>, vector<16xi32>
      %mul3A_229 = arith.constant 2 : i32
      %mul3A_230 = arith.muli %mul3A_229, %scan3A_35 : i32
      %add3A_231 = arith.constant 1 : i32
      %add3A_232 = arith.addi %mul3A_230, %add3A_231 : i32
      %eq3A_233 = vector.broadcast %add3A_232 : i32 to vector<16xi32>
      %eq3A_234 = arith.cmpi eq, %iota3A, %eq3A_233 : vector<16xi32>
      %select_n3A_235 = arith.select %eq3A_234, %select_n3A_223, %select_n3A_228 : vector<16xi1>, vector<16xi32>
      scf.yield %select_n3A_235 : vector<16xi32>
    }
    %scan3A_31 = arith.constant 4 : i32
    %swap3A = arith.constant 0 : index
    %swap3A_32 = tpu.vector_load %arg13[%swap3A] {strides = array<i32>} : memref<16xi32, #tpu.memory_space<vmem>>, vector<16xi32>,
    tpu.vector_store %arg13[%swap3A], %scan3A_30 {strides = array<i32>} : memref<16xi32, #tpu.memory_space<vmem>>, vector<16xi32>,
    %mul3A_33 = arith.constant 8 : i32
    %mul3A_34 = arith.muli %add3A, %mul3A_33 : i32
    "tpu.region"() ({
      %run_scoped3A = tpu.sem_alloc : memref<!tpu.dma_semaphore, #tpu.memory_space<semaphore_mem>>
      %dma_start3A_35 = arith.constant 0 : i32
      %dma_start3A_36 = tpu.memref_slice %arg13[%dma_start3A_35] : memref<16xi32, #tpu.memory_space<vmem>> -> memref<8xi32, #tpu.memory_space<vmem>>
      %dma_start3A_37 = tpu.memref_slice %arg5[%mul3A_34] : memref<256xi32, #tpu.memory_space<hbm>> -> memref<8xi32, #tpu.memory_space<hbm>>
      %dma_start3A_38 = tpu.memref_slice %arg5[%mul3A_34] : memref<256xi32, #tpu.memory_space<hbm>> -> memref<8xi32, #tpu.memory_space<hbm>>
      %dma_start3A_39 = arith.constant 0 : i32
      %dma_start3A_40 = tpu.memref_slice %arg13[%dma_start3A_39] : memref<16xi32, #tpu.memory_space<vmem>> -> memref<8xi32, #tpu.memory_space<vmem>>
      tpu.enqueue_dma source(%dma_start3A_40 : memref<8xi32, #tpu.memory_space<vmem>>) target(%dma_start3A_38 : memref<8xi32, #tpu.memory_space<hbm>>) target_semaphore(%run_scoped3A : memref<!tpu.dma_semaphore, #tpu.memory_space<semaphore_mem>>)
      %dma_wait3A_41 = arith.constant 0 : i32
      %dma_wait3A_42 = tpu.memref_slice %arg13[%dma_wait3A_41] : memref<16xi32, #tpu.memory_space<vmem>> -> memref<8xi32, #tpu.memory_space<vmem>>
      %dma_wait3A_43 = tpu.memref_slice %arg5[%mul3A_34] : memref<256xi32, #tpu.memory_space<hbm>> -> memref<8xi32, #tpu.memory_space<hbm>>
      %dma_wait3A_44 = tpu.memref_slice %arg5[%mul3A_34] : memref<256xi32, #tpu.memory_space<hbm>> -> memref<8xi32, #tpu.memory_space<hbm>>
      %dma_wait3A_45 = arith.constant 0 : i32
      %dma_wait3A_46 = tpu.memref_slice %arg13[%dma_wait3A_45] : memref<16xi32, #tpu.memory_space<vmem>> -> memref<8xi32, #tpu.memory_space<vmem>>
      tpu.wait_dma2 semaphore(%run_scoped3A : memref<!tpu.dma_semaphore, #tpu.memory_space<semaphore_mem>>) src(%dma_wait3A_46 : memref<8xi32, #tpu.memory_space<vmem>>) dst(%dma_wait3A_44 : memref<8xi32, #tpu.memory_space<hbm>>)
      tpu.yield
    }) : () -> ()
    return
  }
}

module attributes {stable_mosaic.version = 14 : i64} {
  func.func @_tc_body(%arg0: i32, %arg1: memref<16x4096xf32, #tpu.memory_space<vmem>>, %arg2: memref<16x4096xf32, #tpu.memory_space<vmem>>, %arg3: memref<16x4096xi32, #tpu.memory_space<vmem>>, %arg4: memref<16x1xi32, #tpu.memory_space<vmem>>, %arg5: memref<16x1xi32, #tpu.memory_space<vmem>>, %arg6: memref<16x4096xf32, #tpu.memory_space<vmem>>) attributes {dimension_semantics = [#tpu.dimension_semantics<arbitrary>], iteration_bounds = array<i64: 8>, scalar_prefetch = 0 : i64, scratch_operands = 0 : i64, tpu.core_type = #tpu.core_type<tc>, window_params = [{transform_indices = @transform_0, window_bounds = array<i64: 16, 4096>}, {transform_indices = @transform_1, window_bounds = array<i64: 16, 4096>}, {transform_indices = @transform_2, window_bounds = array<i64: 16, 4096>}, {transform_indices = @transform_3, window_bounds = array<i64: 16, 1>}, {transform_indices = @transform_4, window_bounds = array<i64: 16, 1>}, {transform_indices = @transform_5, window_bounds = array<i64: 16, 4096>}]} {
    %get3A = arith.constant 0 : index
    %get3A_0 = arith.constant 0 : index
    %get3A_1 = vector.load %arg1[%get3A, %get3A_0] : memref<16x4096xf32, #tpu.memory_space<vmem>>, vector<16x4096xf32>
    %get3A_2 = arith.constant 0 : index
    %get3A_3 = arith.constant 0 : index
    %get3A_4 = vector.load %arg2[%get3A_2, %get3A_3] : memref<16x4096xf32, #tpu.memory_space<vmem>>, vector<16x4096xf32>
    %get3A_5 = arith.constant 0 : index
    %get3A_6 = arith.constant 0 : index
    %get3A_7 = vector.load %arg3[%get3A_5, %get3A_6] : memref<16x4096xi32, #tpu.memory_space<vmem>>, vector<16x4096xi32>
    %ne3A = arith.constant 0 : i32
    %ne3A_8 = vector.broadcast %ne3A : i32 to vector<16x4096xi32>
    %ne3A_9 = arith.cmpi ne, %get3A_7, %ne3A_8 : vector<16x4096xi32>
    %get3A_10 = arith.constant 0 : index
    %get3A_11 = arith.constant 0 : index
    %get3A_12 = vector.load %arg4[%get3A_10, %get3A_11] : memref<16x1xi32, #tpu.memory_space<vmem>>, vector<16x1xi32>
    %get3A_13 = arith.constant 0 : index
    %get3A_14 = arith.constant 0 : index
    %get3A_15 = vector.load %arg5[%get3A_13, %get3A_14] : memref<16x1xi32, #tpu.memory_space<vmem>>, vector<16x1xi32>
    %bitcast_convert_type3A = tpu.bitcast %get3A_4 : vector<16x4096xf32> -> vector<16x4096xi32>
    %shift_right_arithmetic3A = arith.constant 31 : i32
    %shift_right_arithmetic3A_16 = vector.broadcast %shift_right_arithmetic3A : i32 to vector<16x4096xi32>
    %shift_right_arithmetic3A_17 = arith.shrsi %bitcast_convert_type3A, %shift_right_arithmetic3A_16 : vector<16x4096xi32>
    %and3A = arith.constant 2147483647 : i32
    %and3A_18 = vector.broadcast %and3A : i32 to vector<16x4096xi32>
    %and3A_19 = arith.andi %shift_right_arithmetic3A_17, %and3A_18 : vector<16x4096xi32>
    %xor3A = arith.xori %bitcast_convert_type3A, %and3A_19 : vector<16x4096xi32>
    %and3A_20 = arith.constant 1 : i32
    %and3A_21 = vector.broadcast %and3A_20 : i32 to vector<16x4096xi32>
    %and3A_22 = arith.andi %shift_right_arithmetic3A_17, %and3A_21 : vector<16x4096xi32>
    %add3A = arith.addi %xor3A, %and3A_22 : vector<16x4096xi32>
    %jit3A = arith.constant -2147483648 : i32
    %broadcast_in_dim3A = vector.broadcast %jit3A : i32 to vector<16x4096xi32>
    %select_n3A = arith.select %ne3A_9, %add3A, %broadcast_in_dim3A : vector<16x4096xi1>, vector<16x4096xi32>
    %iota3A = tpu.iota {dimensions = array<i32: 1>} : vector<16x4096xi32>
    %gt3A = vector.broadcast %get3A_12 : vector<16x1xi32> to vector<16x4096xi32>
    %gt3A_23 = arith.cmpi sgt, %select_n3A, %gt3A : vector<16x4096xi32>
    %eq3A = vector.broadcast %get3A_12 : vector<16x1xi32> to vector<16x4096xi32>
    %eq3A_24 = arith.cmpi eq, %select_n3A, %eq3A : vector<16x4096xi32>
    %le3A = vector.broadcast %get3A_15 : vector<16x1xi32> to vector<16x4096xi32>
    %le3A_25 = arith.cmpi sle, %iota3A, %le3A : vector<16x4096xi32>
    %and3A_26 = arith.andi %eq3A_24, %le3A_25 : vector<16x4096xi1>
    %or3A = arith.ori %gt3A_23, %and3A_26 : vector<16x4096xi1>
    %reduce_max3A = arith.constant dense<0xFF800000> : vector<16xf32>
    %reduce_max3A_27 = vector.multi_reduction <maximumf>, %get3A_1, %reduce_max3A [1] : vector<16x4096xf32> to vector<16xf32>
    %broadcast_in_dim3A_28 = vector.shape_cast %reduce_max3A_27 : vector<16xf32> to vector<16x1xf32>
    %sub3A = vector.broadcast %broadcast_in_dim3A_28 : vector<16x1xf32> to vector<16x4096xf32>
    %sub3A_29 = arith.subf %get3A_1, %sub3A : vector<16x4096xf32>
    %exp3A = math.exp %sub3A_29 : vector<16x4096xf32>
    %reduce_sum3A = arith.constant dense<0.000000e+00> : vector<16xf32>
    %reduce_sum3A_30 = vector.multi_reduction <add>, %exp3A, %reduce_sum3A [1] : vector<16x4096xf32> to vector<16xf32>
    %broadcast_in_dim3A_31 = vector.shape_cast %reduce_sum3A_30 : vector<16xf32> to vector<16x1xf32>
    %div3A = vector.broadcast %broadcast_in_dim3A_31 : vector<16x1xf32> to vector<16x4096xf32>
    %div3A_32 = arith.divf %exp3A, %div3A : vector<16x4096xf32>
    %jit3A_33 = arith.constant 0.000000e+00 : f32
    %broadcast_in_dim3A_34 = vector.broadcast %jit3A_33 : f32 to vector<16x4096xf32>
    %select_n3A_35 = arith.select %or3A, %div3A_32, %broadcast_in_dim3A_34 : vector<16x4096xi1>, vector<16x4096xf32>
    %swap3A = arith.constant 0 : index
    %swap3A_36 = arith.constant 0 : index
    %swap3A_37 = vector.load %arg6[%swap3A, %swap3A_36] : memref<16x4096xf32, #tpu.memory_space<vmem>>, vector<16x4096xf32>
    tpu.vector_store %arg6[%swap3A, %swap3A_36], %select_n3A_35 {strides = array<i32>} : memref<16x4096xf32, #tpu.memory_space<vmem>>, vector<16x4096xf32>,
    return
  }
  func.func @transform_0(%arg0: i32) -> (i32, i32) {
    %c0_i32 = arith.constant 0 : i32
    %c0_i32_0 = arith.constant 0 : i32
    return %arg0, %c0_i32 : i32, i32
  }
  func.func @transform_1(%arg0: i32) -> (i32, i32) {
    %c0_i32 = arith.constant 0 : i32
    %c0_i32_0 = arith.constant 0 : i32
    return %arg0, %c0_i32 : i32, i32
  }
  func.func @transform_2(%arg0: i32) -> (i32, i32) {
    %c0_i32 = arith.constant 0 : i32
    %c0_i32_0 = arith.constant 0 : i32
    return %arg0, %c0_i32 : i32, i32
  }
  func.func @transform_3(%arg0: i32) -> (i32, i32) {
    %c0_i32 = arith.constant 0 : i32
    %c0_i32_0 = arith.constant 0 : i32
    return %arg0, %c0_i32 : i32, i32
  }
  func.func @transform_4(%arg0: i32) -> (i32, i32) {
    %c0_i32 = arith.constant 0 : i32
    %c0_i32_0 = arith.constant 0 : i32
    return %arg0, %c0_i32 : i32, i32
  }
  func.func @transform_5(%arg0: i32) -> (i32, i32) {
    %c0_i32 = arith.constant 0 : i32
    %c0_i32_0 = arith.constant 0 : i32
    return %arg0, %c0_i32 : i32, i32
  }
}

</mosaic_0001>

<sc_bundles>
// kernel: kernel.4.cloned.1.call-start
scs
__scs_entry_jumppad:
0x0: {  	(pc) =	sbr.rel $0x88, $3  }
0x1: {  	(tag) =	ssettag $0x0;
	lr =	simm.s32 $0x1  }
0x2: {  	[smem:$0x3F9D] =	sst lr;
	_ =	strace $0xD0000000  }
0x3: {  	_ = 	snop  }
0x4: {  	_ = 	snop  }
0x5: {  	_ = 	snop  }
0x6: {  	_ = 	snop  }
0x7: {  	_ = 	snop  }
__scs_overlays_trampoline_lowered:
0x8: {  	[smem:$0x3FAC] =	sst s0  }
0x9: {  	[smem:$0x3FAD] =	sst s1  }
0xa: {  	[smem:$0x3FAE] =	sst s2  }
0xb: {  	[smem:$0x3FAF] =	sst s3  }
0xc: {  	[smem:$0x3FB0] =	sst s4  }
0xd: {  	[smem:$0x3FB1] =	sst s5  }
0xe: {  	[smem:$0x3FB2] =	sst s6  }
0xf: {  	[smem:$0x3FB3] =	sst s7  }
0x10: {  	[smem:$0x3FB4] =	sst s8  }
0x11: {  	[smem:$0x3FB5] =	sst s9;
	s0 =	simm.s32 @!p0 $0x0  }
0x12: {  	s1 =	sld [smem:$0x3F9B];
	s0 =	simm.s32 @p0 $0x1  }
0x13: {  	[smem:$0x3FB6] =	sst s0;
	s0 =	simm.s32 @!p1 $0x0  }
0x14: {  	s2 =	sld [smem:$0x3F9A];
	s0 =	simm.s32 @p1 $0x1  }
0x15: {  	[smem:$0x3FB7] =	sst s0;
	s0 =	simm.s32 @!p2 $0x0  }
0x16: {  	s3 =	sld [smem:$0x3FDB];
	s0 =	simm.s32 @p2 $0x1  }
0x17: {  	s4 =	simm.s32 $0x1BF5;
	[smem:$0x3FB9] =	sst s0  }
0x18: {  	s0 =	sld [smem:$0x3F9C];
	_ =	swait.ge [sflag:s4], $0x0  }
0x19: {  	s7 =	sld [smem:$0x3F9D]  }
0x1a: {  	s8 =	sadd.s32 $0xFFFFE003, lr  }
0x1b: {  	s9 =	sadd.s32 $0xFFFFFEF7, lr;
	s5 =	simm.s32 $0xFFFFFFFF;
	p2 =	slt.u32 s8, $0xFFFFF086  }
0x1c: {  	p1 =	slt.u32 s9, $0xF7A;
	s5 =	simm.s32 @!p2 $0x0  }
0x1d: {  	s5 =	simm.s32 @p1 $0x1;
	p0 =	seq.s32 s7, s2  }
0x1e: {  	s7 =	smul.u32 @!p0 $0xF7A, s2;
	p2 =	seq.s32 @!p0 s5, $0x0  }
0x1f: {  	s9 =	smul.u32 $0xF7A, s1;
	s8 =	simm.s32 @!p0 $0x1BF5;
	p2 =	por !p2, p0  }
0x20: {  	[sflag:s8] =	ssyncset.s32 @!p0 $0xFFFFF086;
	s6 =	sadd.s32 @!p0 s3, s7;
	s7 =	simm.s32 @!p0 $0x108  }
0x21: {  	s3 =	sadd.s32 s3, s9;
	s6 =	sadd.s32 @!p0 $0x88, s6;
	s7 =	simm.s32 @p2 $0x1082  }
0x22: {  	[simem:s7], [sflag:s8] =	dma.local @!p0 [hbm:s6], $0xF7A  }
0x23: {  	s9 =	sor.u32 $0xD0000000, s2;
	s6 =	simm.s32 $0x108;
	_ =	swait.ge @!p0 [sflag:s8], $0x0  }
0x24: {  	s3 =	sadd.s32 $0x88, s3;
	s6 =	simm.s32 @!p1 $0x1082;
	[sflag:s4] =	ssyncset.s32 $0xFFFFF086  }
0x25: {  	[simem:s6], [sflag:s4] =	dma.local [hbm:s3], $0xF7A  }
0x26: {  	[smem:$0x3F9D] =	sst s1;
	(tag) =	ssettag s2;
	_ =	strace s9  }
0x27: {  	s1 =	sld [smem:$0x3FAD]  }
0x28: {  	s2 =	sld [smem:$0x3FAE]  }
0x29: {  	s4 =	sld [smem:$0x3FB0]  }
0x2a: {  	p0 =	seq.s32 s5, $0x0;
	s5 =	sld [smem:$0x3FB1]  }
0x2b: {  	s6 =	sld [smem:$0x3FB2]  }
0x2c: {  	s7 =	sld [smem:$0x3FB3]  }
0x2d: {  	s3 =	simm.s32 $0x108;
	s8 =	sld [smem:$0x3FB4]  }
0x2e: {  	s3 =	simm.s32 @!p0 $0x1082;
	s9 =	sld [smem:$0x3FB5]  }
0x2f: {  	lr =	sadd.s32 s0, s3;
	s0 =	sld [smem:$0x3FAC]  }
0x30: {  	s3 =	sld [smem:$0x3FAF]  }
0x31: {  	[smem:$0x3FB8] =	sst s10  }
0x32: {  	s10 =	sld [smem:$0x3FB6];
	_ =	sdelay $0x3  }
0x33: {  	p0 =	seq.s32 s10, $0x1;
	s10 =	sld [smem:$0x3FB8];
	_ =	sdelay $0x3  }
0x34: {  	[smem:$0x3FB8] =	sst s10  }
0x35: {  	s10 =	sld [smem:$0x3FB7];
	_ =	sdelay $0x3  }
0x36: {  	p1 =	seq.s32 s10, $0x1;
	s10 =	sld [smem:$0x3FB8];
	_ =	sdelay $0x3  }
0x37: {  	[smem:$0x3FB8] =	sst s10  }
0x38: {  	s10 =	sld [smem:$0x3FB9]  }
0x39: {  	_ = 	snop;
	(pc) =	sbr.ind lr, $3  }
0x3a: {  	_ = 	snop  }
0x3b: {  	_ = 	snop  }
0x3c: {  	p2 =	seq.s32 s10, $0x1;
	s10 =	sld [smem:$0x3FB8]  }
0x3d: {  	_ =	shalt  }
0x3e: {  	_ =	shalt  }
0x3f: {  	_ =	shalt  }
0x40: {  	_ =	shalt  }
0x41: {  	_ =	shalt  }
0x42: {  	_ =	shalt  }
0x43: {  	_ =	shalt  }
0x44: {  	_ =	shalt  }
0x45: {  	_ =	shalt  }
0x46: {  	_ =	shalt  }
0x47: {  	_ =	shalt  }
0x48: {  	_ =	shalt  }
0x49: {  	_ =	shalt  }
0x4a: {  	_ =	shalt  }
0x4b: {  	_ =	shalt  }
0x4c: {  	_ =	shalt  }
0x4d: {  	_ =	shalt  }
0x4e: {  	_ =	shalt  }
0x4f: {  	_ =	shalt  }
0x50: {  	_ =	shalt  }
0x51: {  	_ =	shalt  }
0x52: {  	_ =	shalt  }
0x53: {  	_ =	shalt  }
0x54: {  	_ =	shalt  }
0x55: {  	_ =	shalt  }
0x56: {  	_ =	shalt  }
0x57: {  	_ =	shalt  }
0x58: {  	_ =	shalt  }
0x59: {  	_ =	shalt  }
0x5a: {  	_ =	shalt  }
0x5b: {  	_ =	shalt  }
0x5c: {  	_ =	shalt  }
0x5d: {  	_ =	shalt  }
0x5e: {  	_ =	shalt  }
0x5f: {  	_ =	shalt  }
0x60: {  	_ =	shalt  }
0x61: {  	_ =	shalt  }
0x62: {  	_ =	shalt  }
0x63: {  	_ =	shalt  }
0x64: {  	_ =	shalt  }
0x65: {  	_ =	shalt  }
0x66: {  	_ =	shalt  }
0x67: {  	_ =	shalt  }
0x68: {  	_ =	shalt  }
0x69: {  	_ =	shalt  }
0x6a: {  	_ =	shalt  }
0x6b: {  	_ =	shalt  }
0x6c: {  	_ =	shalt  }
0x6d: {  	_ =	shalt  }
0x6e: {  	_ =	shalt  }
0x6f: {  	_ =	shalt  }
0x70: {  	_ =	shalt  }
0x71: {  	_ =	shalt  }
0x72: {  	_ =	shalt  }
0x73: {  	_ =	shalt  }
0x74: {  	_ =	shalt  }
0x75: {  	_ =	shalt  }
0x76: {  	_ =	shalt  }
0x77: {  	_ =	shalt  }
0x78: {  	_ =	shalt  }
0x79: {  	_ =	shalt  }
0x7a: {  	_ =	shalt  }
0x7b: {  	_ =	shalt  }
0x7c: {  	_ =	shalt  }
0x7d: {  	_ =	shalt  }
0x7e: {  	_ =	shalt  }
0x7f: {  	_ =	shalt  }
0x80: {  	_ =	shalt  }
0x81: {  	_ =	shalt  }
0x82: {  	_ =	shalt  }
0x83: {  	_ =	shalt  }
0x84: {  	_ =	shalt  }
0x85: {  	_ =	shalt  }
0x86: {  	_ =	shalt  }
0x87: {  	_ =	shalt  }
.Lfunc_end0:
.L_simem_size_0:
called_computation_lowered:
.L_overlay_start_0:
0x88: {  	s2 =	sld [smem:$0x3FD9]  }
0x89: {  	s3 =	sld [smem:$0x3FFE];
	_ =	sdelay $0x1  }
0x8a: {  	s1 =	srdreg.scid  }
0x8b: {  	s0 =	sand.u32 $0x1, s1  }
0x8c: {  	s18 =	sshll.u32 s0, $0xA;
	s2 =	sadd.s32 s3, s2  }
0x8d: {  	s2 =	sadd.s32 s2, s18  }
0x8e: {  	[smem:$0x3FC4] =	sst s2  }
0x8f: {  	_ = 	snop  }
0x90: {  	s2 =	sld [smem:$0x3FC8]  }
0x91: {  	s19 =	sld [smem:$0x3FC7]  }
0x92: {  	s4 =	sld [smem:$0x3FC6]  }
0x93: {  	s5 =	sld [smem:$0x3FD0];
	(tm) =	ssettm $0x1  }
0x94: {  	s6 =	sld [smem:$0x3FFB];
	_ =	sdelay $0x3  }
0x95: {  	_ =	strace s6  }
0x96: {  	s6 =	sld [smem:$0x3FFC];
	_ =	sdelay $0x3  }
0x97: {  	_ =	strace s6  }
0x98: {  	s6 =	sld [smem:$0x3FFD];
	_ =	sdelay $0x3  }
0x99: {  	_ =	strace s6  }
0x9a: {  	_ =	strace $0x8FFFFFFF  }
0x9b: {  	s20 =	sld [smem:$0x3FDB];
	_ =	sdelay $0x1  }
0x9c: {  	s7 =	simm.s32 $_scs_section_size  }
0x9d: {  	s8 =	simm.s32 $_size__tile_overlayer_lowered;
	s9 =	simm.s32 $_tile_overlayer_lowered  }
0x9e: {  	s23 =	simm.s32 $0x1BFF;
	s22 =	sshll.u32 s9, $0x1;
	s6 =	sadd.s32 s7, s20  }
0x9f: {  	s10 =	simm.s32 $0x0;
	s21 =	sshll.u32 s8, $0x1;
	s8 =	sadd.s32 s22, s6  }
0xa0: {  	[timem:s10], [sflag:s23] =	dma.local [hbm:s8], s21  }
0xa1: {  	_ =	swait.ge [sflag:s23], s21  }
0xa2: {  	s7 =	ssub.s32 $0x0, s21;
	[sflag:s23] =	ssyncset.done $0x0  }
0xa3: {  	[sflag:s23] =	ssyncadd.s32 s7;
	_ =	sdelay $0x1  }
0xa4: {  	s24 =	simm.s32 $0x1B8B  }
0xa5: {  	_ =	swait.ge [sflag:s24], $0x1  }
0xa6: {  	[sflag:s24] =	ssyncset.done $0x0  }
0xa7: {  	s25 =	simm.s32 $0x1B8E;
	[sflag:s24] =	ssyncadd.s32 $0xFFFFFFFF  }
0xa8: {  	s26 =	simm.s32 $execute0_lowered;
	[smem:$0x3FD2] =	sst s25  }
0xa9: {  	s7 =	sshll.u32 s26, $0x1;
	_ =	strace $0x80000046;
	[dreg:$0x1] =	wrdreg $0xFFFFFFFF  }
0xaa: {  	s28 =	simm.s32 $_size_execute0_lowered;
	s6 =	sadd.s32 s6, s7;
	[dreg:$0x0] =	wrdreg $0x0  }
0xab: {  	s7 =	sshll.u32 s28, $0x1;
	[dreg:$0x2] =	wrdreg s6  }
0xac: {  	[dreg:$0x3] =	wrdreg s7  }
0xad: {  	[dreg:$0x4] =	wrdreg $0xC0  }
0xae: {  	_ =	task [dreg:s10], $0x5FFFF  }
0xaf: {  	[dreg:$0x1] =	wrdreg $0xFFFFFFFF  }
0xb0: {  	[dreg:$0x0] =	wrdreg $0x60  }
0xb1: {  	[dreg:$0x2] =	wrdreg s2  }
0xb2: {  	[dreg:$0x3] =	wrdreg s19  }
0xb3: {  	[dreg:$0x4] =	wrdreg s4  }
0xb4: {  	[dreg:$0x5] =	wrdreg s5  }
0xb5: {  	[dreg:$0x6] =	wrdreg $0x9  }
0xb6: {  	_ =	task.clear_ibuf [dreg:s10], $0x7FFFF;
	_ =	strace $0x90000046  }
0xb7: {  	s29 =	simm.s32 $0x9;
	_ =	strace $0x80000048  }
0xb8: {  	_ =	swait.ge [sflag:s29], $0x1  }
0xb9: {  	[sflag:s29] =	ssyncadd.s32 $0xFFFFFFFF  }
0xba: {  	_ =	strace $0x90000048  }
0xbb: {  	_ =	sfence  }
0xbc: {  	s30 =	sld [smem:$0x0];
	_ =	sdelay $0x2  }
0xbd: {  	s31 =	sshll.u32 s1, $0xD;
	s1 =	sshrl.u32 s1, $0x2  }
0xbe: {  	s3 =	sand.u32 $0x4000, s31;
	s1 =	sadd.s32 s1, s30  }
0xbf: {  	s0 =	sor.u32 s3, s0;
	s1 =	sshll.u32 s1, $0x11  }
0xc0: {  	s0 =	sor.u32 s1, s0  }
0xc1: {  	s0 =	sadd.s32 $0x8F2B, s0  }
0xc2: {  	[sflag:s0] =	ssyncadd.remote.s32 $0x1  }
0xc3: {  	_ =	sfence.sel $0xFFFF  }
0xc4: {  	[dreg:$0x0] =	wrdreg $0xFFFFFFFF;
	(pc) =	sbr.abs _section_cstart, $3  }
0xc5: {  	[dreg:$0x1] =	wrdreg $0xFFFFFFFF  }
0xc6: {  	_ =	task.clear_ibuf [dreg:s10], $0x2FFFF;
	_ =	strace $0x9FFFFFFF  }
0xc7: {  	(tm) =	ssettm $0x7FFFFFFF  }
tec
execute0_lowered:
.L_overlay_start_1:
0x0: {  	(tag) =	ssettag $0x1  }
0x1: {  	s0 =	rddreg [dreg:$0x0]  }
0x2: {  	s1 =	rddreg [dreg:$0x1]  }
0x3: {  	s3 =	rddreg [dreg:$0x3]  }
0x4: {  	s4 =	srdreg.scid;
	s2 =	simm.s32 $0x0;
	s11 =	stileid.u32  }
0x5: {  	s12 =	simm.s32 $0x8100;
	s13 =	simm.s32 $0xC100;
	s14 =	simm.s32 $0x3  }
0x6: {  	s15 =	simm.s32 $0x1;
	s16 =	simm.s32 $0x2;
	s18 =	simm.s32 $0x1000  }
0x7: {  	s19 =	simm.s32 $0xC180;
	s20 =	simm.s32 $0x2000;
	s21 =	simm.s32 $0x3080  }
0x8: {  	s22 =	simm.s32 $0x80000;
	s23 =	simm.s32 $0x800;
	s24 =	simm.s32 $0x0  }
0x9: {  	s4 =	sand.u32 $0x1, s4;
	[smem:$0x7FF] =	sst s2;
	s7 =	sshll.u32 s11, $0x1  }
0xa: {  	s8 =	sshll.u32 s11, $0xC;
	s31 =	sshll.u32 s11, $0x5;
	s11 =	simm.s32 $0x4100  }
0xb: {  	s5 =	ssub.s32 $0x2, s4;
	_ =	strace $0x80000047;
	s9 =	sshll.u32 s4, $0x6  }
.Ltmp0:
0xc: {  	s7 =	sor.u32 s4, s7;
	s6 =	sshrl.u32 s5, $0x1;
	(pc) =	sbr.rel .LBB2_1-.Ltmp0, $4  }
0xd: {  	v0 =	vlaneseq.u32;
	s29 =	sor.u32 s9, s8;
	s30 =	sshll.u32 s7, $0x2;
	s7 =	sadd.s32 s3, s7  }
0xe: {  	v3 =	vmul.u32 $0xFFFFFFFF, v0;
	s9 =	simm.s32 $0x200;
	s10 =	ssub.s32 s5, s6;
	s4 =	sadd.s32 s0, s29  }
0xf: {  	v1 =	vimm.s32 $0x0;
	s5 =	sadd.s32 s1, s29;
	s0 =	sand.u32 $0x1C0, s31;
	s6 =	sand.u32 $0xC, s30  }
0x10: {  	v2 =	vimm.s32 $0x1;
	v4 =	vimm.s32 $0x80000000;
	v3 =	vadd.s32 $0xF, v3;
	s8 =	smax.u32 s10, $0x1;
	s10 =	simm.s32 $0x400;
	s17 =	sshrl.u32 s0, $0x2  }
.LBB2_39:
0x11: {  	s24 =	sadd.s32 $0x1, s24  }
0x12: {  	p0 =	sne.s32 s24, s8  }
.Ltmp1:
0x13: {  	[tilespmem:$0xC180] =	vst v5;
	(pc) =	sbr.rel @!p0 .LBB2_40-.Ltmp1, $4  }
0x14: {  	[hbm4b:s7+s2] =	stream.linear.scatter [tilespmem:s19], [sflag:$0x3], $0x8, $0x38;
	[tilespmem:$0xC200] =	vst v63  }
0x15: {  	_ =	swait.ge [sflag:s14], $0x8  }
0x16: {  	[sflag:s14] =	ssyncset.done $0x0  }
0x17: {  	[sflag:s14] =	ssyncadd.s32 $0xFFFFFFF8  }
.LBB2_1:
0x18: {  	[tilespmem:s11], [sflag:$0x1] =	stream.strided.gather [hbm4b:s4+s9], $0x4000, s10, s9, $0x38;
	[tilespmem:$0xC200] =	vst v63  }
0x19: {  	_ = 	snop  }
0x1a: {  	[tilespmem:s12], [sflag:$0x2] =	stream.strided.gather [hbm4b:s5+s9], $0x4000, s10, s9, $0x38;
	[tilespmem:$0xC200] =	vst v63  }
0x1b: {  	s0 =	rddreg [dreg:$0x2]  }
0x1c: {  	[tilespmem:s13], [sflag:$0x3] =	stream.linear.gather [hbm4b:s0+s2], $0x80, $0x38;
	[tilespmem:$0xC200] =	vst v63  }
0x1d: {  	_ =	swait.ge [sflag:s14], $0x80  }
0x1e: {  	[sflag:s14] =	ssyncset.done $0x0  }
0x1f: {  	s1 =	simm.s32 $0x0;
	s0 =	simm.s32 $0x40;
	[sflag:s14] =	ssyncadd.s32 $0xFFFFFF80  }
.LBB2_2:
0x20: {  	p0 =	sne.s32 s0, $0x3FC0;
	[tilespmem:s1+$0x1000] =	vst v1;
	s1 =	smov.u32 s0;
	s0 =	sadd.s32 $0x40, s0  }
.Ltmp2:
0x21: {  	(pc) =	sbr.rel @p0 .LBB2_2-.Ltmp2, $2  }
0x22: {  	_ =	sdelay $0x2  }
0x23: {  	s1 =	sshra.s32 s1, $0x2  }
0x24: {  	[tilespmem:s1+$0x1000] =	vst v1  }
0x25: {  	_ =	swait.ge [sflag:s15], $0x4000  }
0x26: {  	[sflag:s15] =	ssyncset.done $0x0  }
0x27: {  	[sflag:s15] =	ssyncadd.s32 $0xFFFFC000  }
0x28: {  	_ =	swait.ge [sflag:s16], $0x4000  }
0x29: {  	s25 =	simm.s32 $0x0;
	[sflag:s16] =	ssyncset.done $0x0  }
0x2a: {  	v5 =	vimm.s32 $0x0;
	s26 =	simm.s32 $0x8140;
	s28 =	simm.s32 $0x4140;
	[sflag:s16] =	ssyncadd.s32 $0xFFFFC000  }
.LBB2_4:
0x2b: {  	v7 =	vmov s28;
	_ =	sdelay $0x2  }
0x2c: {  	v10 =	vimm.s32 $0x80000000;
	v6 =	vld [tilespmem:s17+$0xC100];
	s29 =	simm.s32 $0x40;
	v8 =	vmov s26;
	s30 =	simm.s32 $0x0;
	v9 =	vimm.s32 $0x0  }
.LBB2_5:
0x2d: {  	s31 =	sshra.s32 s30, $0x2  }
0x2e: {  	v11 =	vld.idx.msk [tilespmem:v7+s31+$0xFFFFFFC0 ss:$0x1], $0xffff;
	_ =	sdelay $0x2  }
0x2f: {  	v12 =	vld.idx.msk [tilespmem:v8+s31+$0xFFFFFFC0 ss:$0x1], $0xffff;
	_ =	sdelay $0x1  }
0x30: {  	v13 =	vshra.s32 v11, $0x1F  }
0x31: {  	v13 =	vand.u32 $0x7FFFFFFF, v13  }
0x32: {  	v13 =	vxor.u32 v11, v13;
	v11 =	vshrl.u32 v11, $0x1F  }
0x33: {  	vm0 =	vne.s32 v12, $0x0;
	v11 =	vadd.s32 v11, v13  }
0x34: {  	v11 =	vnsel vm0, $0x80000000, v11  }
0x35: {  	v38 =	vshra.s32 v11, $0x14  }
0x36: {  	v12 =	vadd.s32 $0x800, v38;
	_ =	sdelay $0x3  }
0x37: {  	[tilespmem:s29+$0xFFFFFFC0] =	vst v11  }
0x38: {  	[tilespmem:v12+s18+$0x0] =	vst.idx.add.s32.msk $0xffff, v2  }
0x39: {  	v12 =	vld.idx.msk [tilespmem:v7+s31+$0xFFFFFFD0 ss:$0x1], $0xffff;
	_ =	sdelay $0x2  }
0x3a: {  	v39 =	vld.idx.msk [tilespmem:v8+s31+$0xFFFFFFD0 ss:$0x1], $0xffff;
	_ =	sdelay $0x1  }
0x3b: {  	v14 =	vshra.s32 v12, $0x1F  }
0x3c: {  	v14 =	vand.u32 $0x7FFFFFFF, v14  }
0x3d: {  	v14 =	vxor.u32 v12, v14;
	v12 =	vshrl.u32 v12, $0x1F  }
0x3e: {  	vm1 =	vne.s32 v39, $0x0;
	v12 =	vadd.s32 v12, v14  }
0x3f: {  	v12 =	vnsel vm1, $0x80000000, v12  }
0x40: {  	v40 =	vshra.s32 v12, $0x14  }
0x41: {  	v13 =	vadd.s32 $0x800, v40;
	_ =	sdelay $0x3  }
0x42: {  	[tilespmem:s29+$0xFFFFFFD0] =	vst v12  }
0x43: {  	[tilespmem:v13+s18+$0x0] =	vst.idx.add.s32.msk $0xffff, v2  }
0x44: {  	v13 =	vld.idx.msk [tilespmem:v7+s31+$0xFFFFFFE0 ss:$0x1], $0xffff;
	_ =	sdelay $0x2  }
0x45: {  	v41 =	vld.idx.msk [tilespmem:v8+s31+$0xFFFFFFE0 ss:$0x1], $0xffff;
	_ =	sdelay $0x1  }
0x46: {  	v15 =	vshra.s32 v13, $0x1F  }
0x47: {  	v15 =	vand.u32 $0x7FFFFFFF, v15  }
0x48: {  	v15 =	vxor.u32 v13, v15;
	v13 =	vshrl.u32 v13, $0x1F  }
0x49: {  	vm2 =	vne.s32 v41, $0x0;
	v13 =	vadd.s32 v13, v15  }
0x4a: {  	v13 =	vnsel vm2, $0x80000000, v13  }
0x4b: {  	v42 =	vshra.s32 v13, $0x14  }
0x4c: {  	v14 =	vadd.s32 $0x800, v42;
	_ =	sdelay $0x3  }
0x4d: {  	[tilespmem:s29+$0xFFFFFFE0] =	vst v13  }
0x4e: {  	[tilespmem:v14+s18+$0x0] =	vst.idx.add.s32.msk $0xffff, v2  }
0x4f: {  	v14 =	vld.idx.msk [tilespmem:v7+s31+$0xFFFFFFF0 ss:$0x1], $0xffff;
	_ =	sdelay $0x2  }
0x50: {  	v43 =	vld.idx.msk [tilespmem:v8+s31+$0xFFFFFFF0 ss:$0x1], $0xffff;
	_ =	sdelay $0x1  }
0x51: {  	v16 =	vshra.s32 v14, $0x1F  }
0x52: {  	v16 =	vand.u32 $0x7FFFFFFF, v16  }
0x53: {  	v16 =	vxor.u32 v14, v16;
	v14 =	vshrl.u32 v14, $0x1F  }
0x54: {  	vm3 =	vne.s32 v43, $0x0;
	v14 =	vadd.s32 v14, v16  }
0x55: {  	v14 =	vnsel vm3, $0x80000000, v14  }
0x56: {  	v44 =	vshra.s32 v14, $0x14  }
0x57: {  	v15 =	vadd.s32 $0x800, v44;
	_ =	sdelay $0x3  }
0x58: {  	[tilespmem:s29+$0xFFFFFFF0] =	vst v14  }
0x59: {  	[tilespmem:v15+s18+$0x0] =	vst.idx.add.s32.msk $0xffff, v2  }
0x5a: {  	v15 =	vld.idx.msk [tilespmem:v7+s31+$0x0 ss:$0x1], $0xffff;
	_ =	sdelay $0x2  }
0x5b: {  	v45 =	vld.idx.msk [tilespmem:v8+s31+$0x0 ss:$0x1], $0xffff;
	_ =	sdelay $0x1  }
0x5c: {  	v17 =	vshra.s32 v15, $0x1F  }
0x5d: {  	v17 =	vand.u32 $0x7FFFFFFF, v17  }
0x5e: {  	v17 =	vxor.u32 v15, v17;
	v15 =	vshrl.u32 v15, $0x1F  }
0x5f: {  	vm4 =	vne.s32 v45, $0x0;
	v15 =	vadd.s32 v15, v17  }
0x60: {  	v15 =	vnsel vm4, $0x80000000, v15  }
0x61: {  	v46 =	vshra.s32 v15, $0x14  }
0x62: {  	v16 =	vadd.s32 $0x800, v46;
	_ =	sdelay $0x3  }
0x63: {  	[tilespmem:s29+$0x0] =	vst v15  }
0x64: {  	[tilespmem:v16+s18+$0x0] =	vst.idx.add.s32.msk $0xffff, v2  }
0x65: {  	v16 =	vld.idx.msk [tilespmem:v7+s31+$0x10 ss:$0x1], $0xffff;
	_ =	sdelay $0x2  }
0x66: {  	v47 =	vld.idx.msk [tilespmem:v8+s31+$0x10 ss:$0x1], $0xffff;
	_ =	sdelay $0x1  }
0x67: {  	v18 =	vshra.s32 v16, $0x1F  }
0x68: {  	v18 =	vand.u32 $0x7FFFFFFF, v18  }
0x69: {  	v18 =	vxor.u32 v16, v18;
	v16 =	vshrl.u32 v16, $0x1F  }
0x6a: {  	vm5 =	vne.s32 v47, $0x0;
	v16 =	vadd.s32 v16, v18  }
0x6b: {  	v16 =	vnsel vm5, $0x80000000, v16  }
0x6c: {  	v48 =	vshra.s32 v16, $0x14  }
0x6d: {  	v17 =	vadd.s32 $0x800, v48;
	_ =	sdelay $0x3  }
0x6e: {  	[tilespmem:s29+$0x10] =	vst v16  }
0x6f: {  	[tilespmem:v17+s18+$0x0] =	vst.idx.add.s32.msk $0xffff, v2  }
0x70: {  	v17 =	vld.idx.msk [tilespmem:v7+s31+$0x20 ss:$0x1], $0xffff;
	_ =	sdelay $0x2  }
0x71: {  	v49 =	vld.idx.msk [tilespmem:v8+s31+$0x20 ss:$0x1], $0xffff;
	_ =	sdelay $0x1  }
0x72: {  	v19 =	vshra.s32 v17, $0x1F  }
0x73: {  	v19 =	vand.u32 $0x7FFFFFFF, v19  }
0x74: {  	v19 =	vxor.u32 v17, v19;
	v17 =	vshrl.u32 v17, $0x1F  }
0x75: {  	vm6 =	vne.s32 v49, $0x0;
	v17 =	vadd.s32 v17, v19  }
0x76: {  	v17 =	vnsel vm6, $0x80000000, v17  }
0x77: {  	v50 =	vshra.s32 v17, $0x14  }
0x78: {  	v18 =	vadd.s32 $0x800, v50;
	_ =	sdelay $0x3  }
0x79: {  	[tilespmem:s29+$0x20] =	vst v17  }
0x7a: {  	vm7 =	vgt.s32 v10, v11;
	[tilespmem:v18+s18+$0x0] =	vst.idx.add.s32.msk $0xffff, v2  }
0x7b: {  	v10 =	vsel vm7, v10, v11;
	v11 =	vld.idx.msk [tilespmem:v7+s31+$0x30 ss:$0x1], $0xffff;
	_ =	sdelay $0x1  }
0x7c: {  	v52 =	vmpcnt.ones.xlane vm0  }
0x7d: {  	v53 =	vmpcnt.ones.xlane vm1;
	vm7 =	vgt.s32 v10, v12;
	v51 =	vld.idx.msk [tilespmem:v8+s31+$0x30 ss:$0x1], $0xffff  }
0x7e: {  	v9 =	vadd.s32 v9, v52;
	v10 =	vsel vm7, v10, v12  }
0x7f: {  	v9 =	vadd.s32 v53, v9;
	vm7 =	vgt.s32 v10, v13;
	v54 =	vshra.s32 v11, $0x1F  }
0x80: {  	v57 =	vmpcnt.ones.xlane vm2;
	v10 =	vsel vm7, v10, v13;
	v55 =	vand.u32 $0x7FFFFFFF, v54  }
0x81: {  	vm12 =	vgt.s32 v10, v14;
	v56 =	vxor.u32 v11, v55;
	v11 =	vshrl.u32 v11, $0x1F  }
0x82: {  	v10 =	vsel vm12, v10, v14;
	vm13 =	vne.s32 v51, $0x0;
	v11 =	vadd.s32 v11, v56  }
0x83: {  	v9 =	vadd.s32 v57, v9;
	vm14 =	vgt.s32 v10, v15;
	v11 =	vnsel vm13, $0x80000000, v11  }
0x84: {  	v58 =	vmpcnt.ones.xlane vm3;
	v10 =	vsel vm14, v10, v15;
	v59 =	vshra.s32 v11, $0x14  }
0x85: {  	p0 =	sne.s32 s30, $0xF800;
	v60 =	vmpcnt.ones.xlane vm4;
	vm1 =	vgt.s32 v10, v16;
	v13 =	vadd.s32 $0x800, v59  }
.Ltmp3:
0x86: {  	v9 =	vadd.s32 v58, v9;
	v61 =	vmpcnt.ones.xlane vm5;
	v10 =	vsel vm1, v10, v16;
	(pc) =	sbr.rel @p0 .LBB2_5-.Ltmp3, $4  }
0x87: {  	v9 =	vadd.s32 v60, v9;
	v62 =	vmpcnt.ones.xlane vm6;
	vm1 =	vgt.s32 v10, v17  }
0x88: {  	v9 =	vadd.s32 v61, v9;
	v10 =	vsel vm1, v10, v17;
	v63 =	vmpcnt.ones.xlane vm13  }
0x89: {  	v9 =	vadd.s32 v62, v9;
	[tilespmem:s29+$0x30] =	vst v11;
	vm15 =	vgt.s32 v10, v11  }
0x8a: {  	s30 =	sadd.s32 $0x800, s30;
	v9 =	vadd.s32 v63, v9;
	s29 =	sadd.s32 $0x80, s29;
	v10 =	vsel vm15, v10, v11;
	[tilespmem:v13+s18+$0x0] =	vst.idx.add.s32.msk $0xffff, v2  }
0x8b: {  	s0 =	sor.u32 s6, s25  }
0x8c: {  	v7 =	vmov s0  }
0x8d: {  	vm0 =	veq.s32 v7, v0  }
0x8e: {  	v6 =	vnsel vm0, $0x0, v6  }
0x8f: {  	(xrf0) =	vadd.scan.msk.s32 $0xffff, v6;
	v6 =	vxor.u32 $0x80000000, v9  }
0x90: {  	(xrf0) =	vmax.scan.msk.u32 $0xffff, v6;
	v6 =	vxor.u32 $0x80000000, v10  }
0x91: {  	(xrf0) =	vmax.scan.msk.u32 $0xffff, v6;
	_ =	sdelay $0x3  }
0x92: {  	v6, _, _ =	vpop (xrf0)  }
0x93: {  	v7, _, _ =	vpop (xrf0);
	(v2sf) =	vpush v6, $0xF  }
0x94: {  	(v2sf) =	vpush v7, $0xF;
	v6, _, _ =	vpop (xrf0)  }
0x95: {  	(v2sf) =	vpush v6, $0xF;
	_ =	sdelay $0xc  }
0x96: {  	s29 =	spop (v2sf)  }
0x97: {  	s0 =	spop (v2sf)  }
0x98: {  	s1 =	spop (v2sf)  }
0x99: {  	s3 =	sshra.s32 s1, $0x14  }
0x9a: {  	s1 =	sand.u32 $0xF00000, s1;
	s3 =	sxor.u32 $0xFFFFF800, s3  }
0x9b: {  	p1 =	sne.s32 s1, $0x0;
	s30 =	sadd.s32 $0x800, s3;
	p0 =	slt.s32 s3, $0xFFFFF801  }
0x9c: {  	s31 =	sshrl.u32 s30, $0x1C;
	p0 =	por !p1, !p0  }
0x9d: {  	s3 =	simm.s32 $0x1;
	s1 =	sadd.s32 s31, s30;
	p0 =	por !p0, !p0  }
0x9e: {  	s0 =	sxor.u32 $0x80000000, s0;
	s1 =	sshra.s32 s1, $0x4;
	s3 =	simm.s32 @!p0 $0x0  }
0x9f: {  	p0 =	slt.s32 s0, s29;
	s1 =	ssub.s32 s1, s3  }
0xa0: {  	s29 =	smov.u32 @p0 s0;
	p0 =	slt.s32 s1, $0x0  }
0xa1: {  	p1 =	slt.s32 @!p0 s29, $0x1  }
0xa2: {  	p1 =	por p0, p1  }
.Ltmp4:
0xa3: {  	_ = 	snop;
	(pc) =	sbr.rel @p1 .LBB2_7-.Ltmp4, $1  }
0xa4: {  	_ =	sdelay $0x3  }
0xa5: {  	s0 =	sshll.u32 s1, $0x6  }
0xa6: {  	s0 =	sshra.s32 s0, $0x2  }
0xa7: {  	s1 =	ssub.s32 $0x0, s1;
	s3 =	sadd.s32 $0x1000, s0;
	s0 =	simm.s32 $0x0  }
.LBB2_9:
0xa8: {  	v6 =	vld [tilespmem:s3+$0x0];
	_ =	sdelay $0x4  }
0xa9: {  	(xrf0) =	vadd.scan.msk.s32 $0xffff, v6;
	_ =	sdelay $0x5  }
0xaa: {  	v6, _, _ =	vpop (xrf0)  }
0xab: {  	(v2sf) =	vpush v6, $0xF;
	_ =	sdelay $0xe  }
0xac: {  	s30 =	spop (v2sf)  }
0xad: {  	p0 =	seq.s32 s1, $0x0;
	s0 =	sadd.s32 s0, s30  }
0xae: {  	p1 =	slt.s32 @!p0 s0, s29  }
0xaf: {  	p0 =	por p0, !p1  }
.Ltmp5:
0xb0: {  	_ = 	snop;
	(pc) =	sbr.rel @!p0 .LBB2_9-.Ltmp5, $2  }
0xb1: {  	_ =	sdelay $0x2  }
0xb2: {  	s1 =	sadd.s32 $0x1, s1;
	s3 =	sadd.s32 $0xFFFFFFF0, s3  }
.Ltmp6:
0xb3: {  	(pc) =	sbr.rel .LBB2_11-.Ltmp6, $2  }
0xb4: {  	_ =	sdelay $0x2  }
0xb5: {  	s1 =	ssub.s32 $0x0, s1  }
.LBB2_7:
0xb6: {  	s0 =	simm.s32 $0x0  }
0xb7: {  	s1 =	smov.u32 @p0 s1;
	s0 =	simm.s32 @p0 $0x0  }
.LBB2_11:
0xb8: {  	p0 =	slt.s32 s1, $0xFE  }
0xb9: {  	s1 =	simm.s32 @!p0 $0xFE  }
0xba: {  	s1 =	sshll.u32 s1, $0x4  }
0xbb: {  	v6 =	vld [tilespmem:s1+$0x1010];
	_ =	sdelay $0x4  }
0xbc: {  	(xrf0) =	vadd.scan.msk.s32 $0xffff, v6;
	_ =	sdelay $0x5  }
0xbd: {  	v7, _, _ =	vpop (xrf0)  }
0xbe: {  	(v2sf) =	vpush v7, $0xF;
	_ =	sdelay $0x7  }
0xbf: {  	v7 =	vperm.xlane v6, v3;
	_ =	sdelay $0x1  }
0xc0: {  	(xrf0) =	vadd.scan.msk.s32 $0xffff, v7;
	_ =	sdelay $0x4  }
0xc1: {  	s3 =	spop (v2sf)  }
0xc2: {  	v7, _, _ =	vpop (xrf0);
	s0 =	ssub.s32 s0, s3  }
0xc3: {  	v7 =	vadd.s32 s0, v7  }
0xc4: {  	vm0 =	vge.s32 v7, s29  }
0xc5: {  	v7 =	vmctz.xlane vm0  }
0xc6: {  	s31 =	sadd.s32 $0x1F, s1  }
0xc7: {  	v7 =	vsub.s32 s31, v7  }
0xc8: {  	vm15 =	vgt.s32 v7, $0x0  }
0xc9: {  	v7 =	vnsel vm15, $0x0, v7;
	_ =	sdelay $0x4  }
0xca: {  	v8 =	vld.idx.msk [tilespmem:v7+s18+$0x0], $0xffff  }
0xcb: {  	s1 =	sadd.s32 $0x10, s1  }
0xcc: {  	v9 =	vor.u32 s1, v0  }
0xcd: {  	vm0 =	vgt.s32 v9, v7  }
0xce: {  	v6 =	vnsel vm0, $0x0, v6  }
0xcf: {  	(xrf0) =	vadd.scan.msk.s32 $0xffff, v6;
	v6 =	vxor.u32 $0x80000000, v8  }
0xd0: {  	(xrf0) =	vmax.scan.msk.u32 $0xffff, v6  }
0xd1: {  	v6 =	vor.u32 $0x80000000, v7  }
0xd2: {  	(xrf0) =	vmax.scan.msk.u32 $0xffff, v6;
	_ =	sdelay $0x2  }
0xd3: {  	v6, _, _ =	vpop (xrf0)  }
0xd4: {  	(v2sf) =	vpush v6, $0xF;
	v8, _, _ =	vpop (xrf0)  }
0xd5: {  	(v2sf) =	vpush v8, $0xF  }
0xd6: {  	v6, _, _ =	vpop (xrf0)  }
0xd7: {  	(v2sf) =	vpush v6, $0xF;
	_ =	sdelay $0xb  }
0xd8: {  	s3 =	spop (v2sf)  }
0xd9: {  	s0 =	sadd.s32 s0, s3;
	s30 =	spop (v2sf)  }
0xda: {  	s1 =	sadd.s32 s30, s0  }
0xdb: {  	s31 =	spop (v2sf);
	s1 =	sadd.s32 $0x80000000, s1  }
0xdc: {  	p1 =	sgt.u32 s31, $0x80000000;
	p5 =	seq.s32 s1, s29  }
0xdd: {  	p0 =	por !p1, !p5  }
0xde: {  	p6 =	seq.s32 s29, $0x0;
	p0 =	por !p0, !p0  }
0xdf: {  	p0 =	por p6, p0  }
.Ltmp7:
0xe0: {  	_ = 	snop;
	(pc) =	sbr.rel @p0 .LBB2_41-.Ltmp7, $2  }
0xe1: {  	_ =	sdelay $0x2  }
0xe2: {  	v6 =	vshll.u32 v7, $0x14  }
0xe3: {  	v8 =	vimm.s32 $0x0;
	s30 =	ssub.s32 s29, s0;
	v6 =	vxor.u32 $0x80000000, v6;
	s31 =	simm.s32 $0x0;
	s0 =	simm.s32 $0x20  }
.LBB2_13:
0xe4: {  	v9 =	vld [tilespmem:s0+$0xFFFFFFE0];
	_ =	sdelay $0x4  }
0xe5: {  	v10 =	vshra.s32 v9, $0x14  }
0xe6: {  	v10 =	vadd.s32 $0x800, v10  }
0xe7: {  	vm0 =	veq.s32 v10, v7  }
0xe8: {  	v10 =	vsel vm0, $0x1, v1  }
0xe9: {  	(xrf0) =	vadd.scan.msk.s32 $0xffff, v10;
	_ =	sdelay $0x5  }
0xea: {  	v10, _, _ =	vpop (xrf0)  }
0xeb: {  	v10 =	vadd.s32 v10, v8  }
0xec: {  	v10 =	vadd.s32 $0xFFFFFFFF, v10;
	_ =	sdelay $0x4  }
0xed: {  	[tilespmem:v10+s20+$0x0] =	vst.idx.msk vm0, v9;
	v9 =	vor.u32 s31, v0  }
0xee: {  	[tilespmem:v10+s21+$0x0] =	vst.idx.msk vm0, v9  }
0xef: {  	v9 =	vld [tilespmem:s0+$0xFFFFFFF0];
	_ =	sdelay $0x4  }
0xf0: {  	v10 =	vshra.s32 v9, $0x14  }
0xf1: {  	v10 =	vadd.s32 $0x800, v10  }
0xf2: {  	vm1 =	veq.s32 v10, v7  }
0xf3: {  	v10 =	vsel vm1, $0x1, v1  }
0xf4: {  	(xrf0) =	vadd.scan.msk.s32 $0xffff, v10;
	_ =	sdelay $0x1  }
0xf5: {  	v10 =	vmpcnt.ones.xlane vm0;
	_ =	sdelay $0x3  }
0xf6: {  	v8 =	vadd.s32 v8, v10;
	v10, _, _ =	vpop (xrf0)  }
0xf7: {  	v10 =	vadd.s32 v10, v8  }
0xf8: {  	v10 =	vadd.s32 $0xFFFFFFFF, v10;
	_ =	sdelay $0x3  }
0xf9: {  	s1 =	sadd.s32 $0x10, s31  }
0xfa: {  	[tilespmem:v10+s20+$0x0] =	vst.idx.msk vm1, v9;
	v9 =	vor.u32 s1, v0  }
0xfb: {  	[tilespmem:v10+s21+$0x0] =	vst.idx.msk vm1, v9  }
0xfc: {  	v9 =	vld [tilespmem:s0+$0x0];
	_ =	sdelay $0x4  }
0xfd: {  	v10 =	vshra.s32 v9, $0x14  }
0xfe: {  	v10 =	vadd.s32 $0x800, v10  }
0xff: {  	vm14 =	veq.s32 v10, v7  }
0x100: {  	v10 =	vsel vm14, $0x1, v1  }
0x101: {  	(xrf0) =	vadd.scan.msk.s32 $0xffff, v10;
	_ =	sdelay $0x1  }
0x102: {  	v10 =	vmpcnt.ones.xlane vm1;
	_ =	sdelay $0x3  }
0x103: {  	v8 =	vadd.s32 v8, v10;
	v10, _, _ =	vpop (xrf0)  }
0x104: {  	v10 =	vadd.s32 v10, v8  }
0x105: {  	v10 =	vadd.s32 $0xFFFFFFFF, v10;
	_ =	sdelay $0x3  }
0x106: {  	s3 =	sadd.s32 $0x20, s31  }
0x107: {  	[tilespmem:v10+s20+$0x0] =	vst.idx.msk vm14, v9;
	v9 =	vor.u32 s3, v0  }
0x108: {  	[tilespmem:v10+s21+$0x0] =	vst.idx.msk vm14, v9  }
0x109: {  	v9 =	vld [tilespmem:s0+$0x10];
	_ =	sdelay $0x4  }
0x10a: {  	v10 =	vshra.s32 v9, $0x14  }
0x10b: {  	v10 =	vadd.s32 $0x800, v10  }
0x10c: {  	vm15 =	veq.s32 v10, v7  }
0x10d: {  	v10 =	vsel vm15, $0x1, v1  }
0x10e: {  	(xrf0) =	vadd.scan.msk.s32 $0xffff, v10;
	_ =	sdelay $0x1  }
0x10f: {  	v10 =	vmpcnt.ones.xlane vm14;
	_ =	sdelay $0x3  }
0x110: {  	v8 =	vadd.s32 v8, v10;
	v10, _, _ =	vpop (xrf0)  }
0x111: {  	v10 =	vadd.s32 v10, v8  }
0x112: {  	v10 =	vadd.s32 $0xFFFFFFFF, v10  }
0x113: {  	p0 =	sne.s32 s31, $0xFC0  }
.Ltmp8:
0x114: {  	_ = 	snop;
	(pc) =	sbr.rel @p0 .LBB2_13-.Ltmp8, $4  }
0x115: {  	_ = 	snop  }
0x116: {  	s3 =	sadd.s32 $0x30, s31;
	v11 =	vmpcnt.ones.xlane vm15  }
0x117: {  	[tilespmem:v10+s20+$0x0] =	vst.idx.msk vm15, v9;
	v9 =	vor.u32 s3, v0  }
0x118: {  	s31 =	sadd.s32 $0x40, s31;
	s0 =	sadd.s32 $0x40, s0;
	v8 =	vadd.s32 v8, v11;
	[tilespmem:v10+s21+$0x0] =	vst.idx.msk vm15, v9  }
0x119: {  	v7 =	vxor.u32 $0x80000000, v8  }
0x11a: {  	(xrf0) =	vmax.scan.msk.u32 $0xffff, v7;
	_ =	sdelay $0x5  }
0x11b: {  	v7, _, _ =	vpop (xrf0)  }
0x11c: {  	(v2sf) =	vpush v7, $0xF;
	_ =	sdelay $0xe  }
0x11d: {  	s0 =	spop (v2sf)  }
0x11e: {  	v7 =	vadd.s32 v0, v8;
	p0 =	slt.u32 s0, $0x80000011  }
.Ltmp9:
0x11f: {  	_ = 	snop;
	(pc) =	sbr.rel @!p0 .LBB2_15-.Ltmp9, $2  }
0x120: {  	_ =	sdelay $0x2  }
0x121: {  	[tilespmem:v7+s20+$0x0] =	vst.idx.msk $0xffff, v4;
	v7 =	vmov s30  }
0x122: {  	v9 =	vld [tilespmem:$0x2000]  }
0x123: {  	v8 =	vld [tilespmem:$0x3080]  }
0x124: {  	v10 =	vimm.s32 $0x0  }
0x125: {  	s1 =	simm.s32 $0x80000;
	s0 =	simm.s32 $0x1;
	v11 =	vor.u32 v6, v10  }
.LBB2_24:
0x126: {  	p0 =	sne.s32 s0, $0x13;
	v11 =	vor.u32 s1, v11  }
0x127: {  	vm0 =	vge.s32 v9, v11  }
0x128: {  	v11 =	vmpcnt.ones.xlane vm0  }
.Ltmp10:
0x129: {  	(pc) =	sbr.rel @p0 .LBB2_24-.Ltmp10, $4  }
0x12a: {  	v12 =	vmov s1;
	vm0 =	vlt.s32 v11, v7  }
0x12b: {  	v11 =	vsel vm0, $0x0, v12  }
0x12c: {  	v10 =	vor.u32 v10, v11  }
0x12d: {  	s1 =	sshrl.u32 s22, s0;
	s0 =	sadd.s32 $0x1, s0;
	v11 =	vor.u32 v6, v10  }
0x12e: {  	v11 =	vor.u32 s1, v11  }
0x12f: {  	vm0 =	vge.s32 v9, v11  }
0x130: {  	v11 =	vmpcnt.ones.xlane vm0;
	_ =	sdelay $0x1  }
0x131: {  	v12 =	vmov s1;
	vm0 =	vlt.s32 v11, v7  }
0x132: {  	v11 =	vsel vm0, $0x0, v12  }
0x133: {  	v10 =	vor.u32 v10, v11  }
0x134: {  	v6 =	vor.u32 v6, v10  }
0x135: {  	v10 =	vadd.s32 $0x1, v6  }
0x136: {  	vm15 =	vge.s32 v9, v10  }
0x137: {  	v10 =	vmpcnt.ones.xlane vm15;
	_ =	sdelay $0x1  }
0x138: {  	s1 =	simm.s32 $0x800;
	s0 =	simm.s32 $0x1;
	v7 =	vsub.s32 v7, v10;
	v10 =	vimm.s32 $0x0  }
.LBB2_26:
0x139: {  	p0 =	seq.s32 s0, $0xB;
	v11 =	vadd.s32 s1, v10  }
0x13a: {  	v12 =	vadd.s32 $0xFFFFFFFF, v11  }
0x13b: {  	vm0 =	veq.s32 v9, v6;
	vm1 =	vle.s32 v8, v12  }
.Ltmp11:
0x13c: {  	vm1 =	vmand vm0, vm1;
	(pc) =	sbr.rel @!p0 .LBB2_26-.Ltmp11, $3  }
0x13d: {  	v12 =	vmpcnt.ones.xlane vm1;
	_ =	sdelay $0x1  }
0x13e: {  	vm1 =	vlt.s32 v12, v7  }
0x13f: {  	s1 =	sshrl.u32 s23, s0;
	s0 =	sadd.s32 $0x1, s0;
	v10 =	vsel vm1, v11, v10  }
0x140: {  	v9 =	vadd.s32 s1, v10  }
0x141: {  	v11 =	vadd.s32 $0xFFFFFFFF, v9  }
0x142: {  	vm1 =	vle.s32 v8, v11  }
.Ltmp12:
0x143: {  	vm0 =	vmand vm0, vm1;
	(pc) =	sbr.rel .LBB2_36-.Ltmp12, $3  }
0x144: {  	v8 =	vmpcnt.ones.xlane vm0;
	_ =	sdelay $0x1  }
0x145: {  	vm0 =	vlt.s32 v8, v7  }
0x146: {  	v7 =	vsel vm0, v9, v10  }
.LBB2_41:
0x147: {  	v6 =	vadd.s32 $0x7FFFFFFF, v6;
	v7 =	vimm.s32 $0xFFFFFFFF  }
.LBB2_36:
0x148: {  	s0 =	simm.s32 $0x0;
	s1 =	simm.s32 $0x200  }
.LBB2_37:
0x149: {  	p0 =	sne.s32 s1, $0x3E00;
	[tilespmem:s0+$0x1070] =	vst v1  }
0x14a: {  	[tilespmem:s0+$0x1000] =	vst v1  }
0x14b: {  	[tilespmem:s0+$0x1010] =	vst v1  }
.Ltmp13:
0x14c: {  	[tilespmem:s0+$0x1020] =	vst v1;
	(pc) =	sbr.rel @p0 .LBB2_37-.Ltmp13, $4  }
0x14d: {  	[tilespmem:s0+$0x1030] =	vst v1  }
0x14e: {  	[tilespmem:s0+$0x1040] =	vst v1  }
0x14f: {  	[tilespmem:s0+$0x1050] =	vst v1  }
0x150: {  	[tilespmem:s0+$0x1060] =	vst v1;
	s0 =	sshra.s32 s1, $0x2;
	s1 =	sadd.s32 $0x200, s1  }
0x151: {  	s1 =	sshll.u32 s25, $0x1  }
0x152: {  	[tilespmem:s0+$0x1070] =	vst v1;
	p0 =	sgt.s32 s29, $0x0;
	v8 =	vmov s1  }
0x153: {  	[tilespmem:s0+$0x1000] =	vst v1;
	s31 =	sshllo.u32 s25, $0x1;
	s25 =	sadd.s32 $0x1, s25;
	v6 =	vpsel !p0, $0x7FFFFFFF, v6;
	vm0 =	veq.s32 v8, v0  }
0x154: {  	[tilespmem:s0+$0x1010] =	vst v1;
	v5 =	vsel vm0, v6, v5;
	v6 =	vpsel !p0, $0xFFFFFFFF, v7;
	p0 =	sne.s32 s25, $0x4  }
.Ltmp14:
0x155: {  	[tilespmem:s0+$0x1020] =	vst v1;
	(pc) =	sbr.rel @p0 .LBB2_4-.Ltmp14, $4  }
.Ltmp15:
0x156: {  	[tilespmem:s0+$0x1030] =	vst v1;
	(pc) =	sbr.rel @!p0 .LBB2_39-.Ltmp15, $4  }
0x157: {  	[tilespmem:s0+$0x1040] =	vst v1;
	v63 =	vmov s31  }
0x158: {  	[tilespmem:s0+$0x1050] =	vst v1;
	vm15 =	veq.s32 v63, v0  }
0x159: {  	[tilespmem:s0+$0x1060] =	vst v1;
	s26 =	sadd.s32 $0x80, s26;
	s28 =	sadd.s32 $0x80, s28;
	v5 =	vsel vm15, v6, v5  }
0x15a: {  	_ = 	snop  }
.LBB2_15:
0x15b: {  	s0 =	sadd.s32 $0x8000000F, s0  }
0x15c: {  	s1 =	sand.u32 $0xF, s0  }
0x15d: {  	s31 =	sshra.s32 s0, $0x1F;
	p1 =	slt.s32 s0, $0x1;
	p0 =	sne.s32 s1, $0x0  }
.Ltmp16:
0x15e: {  	s1 =	sshrl.u32 s31, $0x1C;
	p0 =	por !p1, !p0;
	(pc) =	sbr.rel .LBB2_16-.Ltmp16, $4  }
0x15f: {  	s0 =	sadd.s32 s1, s0;
	s1 =	simm.s32 $0x1;
	p0 =	por !p0, !p0  }
0x160: {  	s0 =	sshra.s32 s0, $0x4;
	s1 =	simm.s32 @!p0 $0x0  }
0x161: {  	s30 =	ssub.s32 s0, s1  }
0x162: {  	v8 =	vimm.s32 $0x0;
	s0 =	simm.s32 $0x0;
	p0 =	slt.s32 s30, $0x1  }
.LBB2_28:
0x163: {  	s0 =	sadd.s32 $0x1, s0  }
0x164: {  	p1 =	sne.s32 s0, $0x14  }
.Ltmp17:
0x165: {  	_ = 	snop;
	(pc) =	sbr.rel @!p1 .LBB2_29-.Ltmp17, $4  }
0x166: {  	_ = 	snop  }
0x167: {  	vm0 =	vgt.s32 v7, $0x0  }
0x168: {  	v9 =	vsel vm0, $0x0, v9  }
0x169: {  	v8 =	vor.u32 v8, v9  }
.LBB2_16:
.Ltmp18:
0x16a: {  	(pc) =	sbr.rel @p0 .LBB2_28-.Ltmp18, $3  }
0x16b: {  	_ =	sdelay $0x1  }
0x16c: {  	s1 =	sshrl.u32 s22, s0  }
0x16d: {  	v9 =	vmov s1  }
0x16e: {  	s3 =	simm.s32 $0x2000  }
0x16f: {  	p1 =	sne.s32 s30, $0x1;
	v11 =	vld [tilespmem:s3+$0x0]  }
.Ltmp19:
0x170: {  	_ = 	snop;
	(pc) =	sbr.rel @!p1 .LBB2_19-.Ltmp19, $4  }
0x171: {  	_ = 	snop  }
0x172: {  	v10 =	vor.u32 v6, v8  }
0x173: {  	v10 =	vor.u32 s1, v10  }
0x174: {  	s1 =	sadd.s32 $0xFFFFFFFF, s30;
	s3 =	simm.s32 $0x2010;
	vm0 =	vge.s32 v11, v10;
	v11 =	vimm.s32 $0x0  }
.LBB2_18:
0x175: {  	v12 =	vld [tilespmem:s3+$0x0];
	p2 =	sne.s32 s1, $0x1;
	s1 =	sadd.s32 $0xFFFFFFFF, s1;
	v13 =	vmpcnt.ones.xlane vm0  }
.Ltmp20:
0x176: {  	(pc) =	sbr.rel @p2 .LBB2_18-.Ltmp20, $2  }
0x177: {  	v11 =	vadd.s32 v11, v13;
	_ =	sdelay $0x2  }
0x178: {  	s3 =	sadd.s32 $0x10, s3;
	vm0 =	vge.s32 v12, v10  }
.LBB2_19:
0x179: {  	s0 =	sadd.s32 $0x1, s0  }
0x17a: {  	v10 =	vmpcnt.ones.xlane vm0;
	p2 =	seq.s32 s0, $0x14  }
.Ltmp21:
0x17b: {  	_ = 	snop;
	(pc) =	sbr.rel @!p2 .LBB2_16-.Ltmp21, $4  }
0x17c: {  	v10 =	vadd.s32 v11, v10  }
0x17d: {  	vm15 =	vlt.s32 v10, v7  }
0x17e: {  	v9 =	vsel vm15, $0x0, v9  }
0x17f: {  	v8 =	vor.u32 v8, v9  }
0x180: {  	s0 =	simm.s32 $0x2000  }
0x181: {  	v10 =	vld [tilespmem:s0+$0x0]  }
.Ltmp22:
0x182: {  	_ = 	snop;
	(pc) =	sbr.rel @!p1 .LBB2_22-.Ltmp22, $4  }
0x183: {  	_ = 	snop  }
0x184: {  	v6 =	vor.u32 v6, v8  }
0x185: {  	v9 =	vadd.s32 $0x1, v6  }
0x186: {  	v8 =	vimm.s32 $0x0;
	s1 =	simm.s32 $0x2010;
	s0 =	sadd.s32 $0xFFFFFFFF, s30;
	vm0 =	vge.s32 v10, v9  }
.LBB2_21:
0x187: {  	v10 =	vld [tilespmem:s1+$0x0];
	p1 =	sne.s32 s0, $0x1;
	s0 =	sadd.s32 $0xFFFFFFFF, s0;
	v11 =	vmpcnt.ones.xlane vm0  }
.Ltmp23:
0x188: {  	(pc) =	sbr.rel @p1 .LBB2_21-.Ltmp23, $2  }
0x189: {  	v8 =	vadd.s32 v8, v11;
	_ =	sdelay $0x2  }
0x18a: {  	s1 =	sadd.s32 $0x10, s1;
	vm0 =	vge.s32 v10, v9  }
.LBB2_22:
.Ltmp24:
0x18b: {  	(pc) =	sbr.rel .LBB2_30-.Ltmp24, $3  }
0x18c: {  	_ = 	snop  }
0x18d: {  	v9 =	vmpcnt.ones.xlane vm0;
	_ =	sdelay $0x1  }
0x18e: {  	v8 =	vadd.s32 v8, v9  }
.LBB2_29:
0x18f: {  	v6 =	vor.u32 v6, v8;
	v8 =	vimm.s32 $0x0  }
.LBB2_30:
.Ltmp25:
0x190: {  	(pc) =	sbr.rel .LBB2_31-.Ltmp25, $2  }
0x191: {  	_ =	sdelay $0x2  }
0x192: {  	v8 =	vsub.s32 v7, v8;
	s0 =	simm.s32 $0x0;
	v7 =	vimm.s32 $0x0  }
.LBB2_34:
0x193: {  	vm0 =	veq.s32 v11, v6;
	vm1 =	vle.s32 v13, v10  }
0x194: {  	vm0 =	vmand vm0, vm1  }
0x195: {  	v10 =	vmpcnt.ones.xlane vm0;
	_ =	sdelay $0x1  }
0x196: {  	v10 =	vadd.s32 v12, v10  }
.LBB2_35:
0x197: {  	s0 =	sadd.s32 $0x1, s0  }
0x198: {  	p1 =	sne.s32 s0, $0xC  }
.Ltmp26:
0x199: {  	_ = 	snop;
	(pc) =	sbr.rel @!p1 .LBB2_36-.Ltmp26, $3  }
0x19a: {  	_ =	sdelay $0x1  }
0x19b: {  	vm0 =	vlt.s32 v10, v8  }
0x19c: {  	v7 =	vsel vm0, v9, v7  }
.LBB2_31:
.Ltmp27:
0x19d: {  	(pc) =	sbr.rel @p0 .LBB2_35-.Ltmp27, $3  }
0x19e: {  	_ =	sdelay $0x1  }
0x19f: {  	s1 =	sshrl.u32 s23, s0  }
0x1a0: {  	v10 =	vimm.s32 $0x0;
	v9 =	vadd.s32 s1, v7  }
0x1a1: {  	s1 =	simm.s32 $0x2000  }
0x1a2: {  	s31 =	simm.s32 $0x3080;
	p1 =	sne.s32 s30, $0x1;
	v11 =	vld [tilespmem:s1+$0x0]  }
.Ltmp28:
0x1a3: {  	v13 =	vld [tilespmem:s31+$0x0];
	(pc) =	sbr.rel @!p1 .LBB2_34-.Ltmp28, $2  }
0x1a4: {  	_ =	sdelay $0x2  }
0x1a5: {  	v10 =	vadd.s32 $0xFFFFFFFF, v9;
	s3 =	sadd.s32 $0xFFFFFFFF, s30;
	v12 =	vimm.s32 $0x0;
	s1 =	simm.s32 $0x2010  }
.LBB2_33:
0x1a6: {  	vm0 =	veq.s32 v11, v6;
	v11 =	vld [tilespmem:s1+$0x0];
	vm1 =	vle.s32 v13, v10;
	s31 =	sadd.s32 $0x10, s31;
	p1 =	sne.s32 s3, $0x1  }
.Ltmp29:
0x1a7: {  	s3 =	sadd.s32 $0xFFFFFFFF, s3;
	v13 =	vld [tilespmem:s31+$0x0];
	vm0 =	vmand vm0, vm1;
	(pc) =	sbr.rel @p1 .LBB2_33-.Ltmp29, $3  }
0x1a8: {  	v14 =	vmpcnt.ones.xlane vm0;
	_ =	sdelay $0x1  }
0x1a9: {  	v12 =	vadd.s32 v12, v14  }
0x1aa: {  	s1 =	sadd.s32 $0x10, s1  }
.Ltmp30:
0x1ab: {  	_ = 	snop;
	(pc) =	sbr.rel .LBB2_34-.Ltmp30, $1  }
0x1ac: {  	_ =	sdelay $0x3  }
.LBB2_40:
0x1ad: {  	_ =	sfence.sel $0x180000  }
0x1ae: {  	[bflag:$0x0] =	sbarrier.arrive $0xFFFF  }
0x1af: {  	_ =	strace $0x90000047  }
0x1b0: {  	s0 =	stileid.u32;
	[bflag:$0x2] =	sbarrier.arrive $0xFFFF  }
0x1b1: {  	p0 =	sne.s32 s0, $0x0;
	s0 =	rddreg [dreg:$0x4]  }
0x1b2: {  	s0 =	sadd.s32 @!p0 $0x100000, s0  }
0x1b3: {  	[sflag:s0] =	ssyncadd.tile.s32 @!p0 $0x1;
	_ =	shalt  }
.Lfunc_end2:
_tile_overlayer_lowered:
.L_overlay_start_2:
0x1b4: {  	(tag) =	ssettag $0x2  }
0x1b5: {  	s0 =	rddreg [dreg:$0x0];
	s2 =	stileid.u32  }
0x1b6: {  	s1 =	rddreg [dreg:$0x1];
	p0 =	sne.s32 s2, $0x0  }
0x1b7: {  	s3 =	rddreg [dreg:$0x2];
	[bflag:$0x3] =	sbarrier.arrive $0xFFFF;
	s2 =	simm.s32 @!p0 $0x1C03  }
0x1b8: {  	[timem:s3], [sflag:s2] =	dma.local @!p0 [hbm:s0], s1  }
0x1b9: {  	s0 =	simm.s32 @!p0 $0x3  }
0x1ba: {  	_ =	swait.ge @!p0 [sflag:s0], s1  }
0x1bb: {  	s1 =	ssub.s32 @!p0 $0x0, s1;
	[sflag:s0] =	ssyncset.done @!p0 $0x0  }
0x1bc: {  	[sflag:s0] =	ssyncadd.s32 @!p0 s1  }
0x1bd: {  	[bflag:$0x3] =	sbarrier.arrive $0xFFFF  }
0x1be: {  	_ =	shalt  }

</sc_bundles>
